<compile_context>
chip_gen: v7x
topology: tpu7x:2x2x1
jax: 0.10.2.dev20260603
libtpu: 0.0.44.dev20260713+nightly
codegen_flags: <defaults>
</compile_context>

<pallas_src>
import functools

import jax
import jax.numpy as jnp
from jax import lax
from jax.experimental import pallas as pl
from jax.experimental.pallas import tpu as pltpu
from jax.experimental.pallas import tpu_sc as plsc

NC = 2
NS = 16
L = 16
D = 16
CHR = 16


def _tile_body(bpw, ts, x_hbm, ut_hbm, it_hbm, tu_hbm, ti_hbm, out_hbm,
               xbuf, tub, tib, bufu, bufi, out_v, sem_u, sem_i):
    wid = lax.axis_index("s") * NC + lax.axis_index("c")
    base = wid * bpw
    c0max = ts - 128

    pltpu.sync_copy(x_hbm.at[pl.ds(base * 2, bpw * 2)], xbuf)
    pltpu.sync_copy(tu_hbm, tub)
    pltpu.sync_copy(ti_hbm, tib)

    lane = jnp.arange(L, dtype=jnp.int32)

    def chunk(ci, carry):
        q = ci * CHR
        uvec = plsc.load_gather(xbuf, [(q + lane) * 2])
        ivec = plsc.load_gather(xbuf, [(q + lane) * 2 + 1])
        cu0 = jnp.minimum((uvec >> 7) << 7, c0max)
        ci0 = jnp.minimum((ivec >> 7) << 7, c0max)
        cps = []
        for j in range(CHR):
            cu = pl.multiple_of(cu0[j], 128)
            cv = pl.multiple_of(ci0[j], 128)
            cps.append(pltpu.async_copy(
                ut_hbm.at[:, pl.ds(cu, 128)],
                bufu.at[pl.ds(j * D, D), :], sem_u))
            cps.append(pltpu.async_copy(
                it_hbm.at[:, pl.ds(cv, 128)],
                bufi.at[pl.ds(j * D, D), :], sem_i))
        for cp in cps:
            cp.wait()
        colu = jnp.minimum(uvec - cu0, 127)
        coli = jnp.minimum(ivec - ci0, 127)
        um = uvec >= ts
        im = ivec >= ts
        tuw = jnp.clip(uvec - ts, 0, 127)
        tiw = jnp.clip(ivec - ts, 0, 127)
        acc = jnp.zeros((L,), jnp.float32)
        for d in range(D):
            row = lane * D + d
            gu = plsc.load_gather(bufu, [row, colu])
            gi = plsc.load_gather(bufi, [row, coli])
            gtu = plsc.load_gather(tub, [d * 128 + tuw])
            gti = plsc.load_gather(tib, [d * 128 + tiw])
            u = jnp.where(um, gtu, gu)
            v = jnp.where(im, gti, gi)
            acc = acc + u * v
        out_v[pl.ds(q, L)] = acc
        return carry

    lax.fori_loop(0, bpw // CHR, chunk, 0)

    pltpu.sync_copy(out_v, out_hbm.at[pl.ds(base, bpw)])


@jax.jit
def _run(xf, ut, it, tu, ti):
    b = xf.shape[0] // 2
    nw = NC * NS
    bpw = b // nw
    ts = (ut.shape[1] >> 7) << 7
    mesh = plsc.VectorSubcoreMesh(
        core_axis_name="c", subcore_axis_name="s",
        num_cores=NC, num_subcores=NS)
    body = functools.partial(_tile_body, bpw, ts)
    return pl.kernel(
        body,
        out_type=jax.ShapeDtypeStruct((b,), jnp.float32),
        mesh=mesh,
        compiler_params=pltpu.CompilerParams(needs_layout_passes=False,
                                             use_tc_tiling_on_sc=True),
        scratch_types=[
            pltpu.VMEM((bpw * 2,), jnp.int32),
            pltpu.VMEM((D * 128,), jnp.float32),
            pltpu.VMEM((D * 128,), jnp.float32),
            pltpu.VMEM((CHR * D, 128), jnp.float32),
            pltpu.VMEM((CHR * D, 128), jnp.float32),
            pltpu.VMEM((bpw,), jnp.float32),
            pltpu.SemaphoreType.DMA,
            pltpu.SemaphoreType.DMA,
        ],
    )(xf, ut, it, tu, ti)


def _tail(table, ts):
    t = table[ts:, :]
    t = jnp.pad(t, ((0, 128 - t.shape[0]), (0, 0)))
    return t.T.reshape(-1)


def kernel(x, user_table, item_table):
    ts = (user_table.shape[0] >> 7) << 7
    tu = _tail(user_table, ts)
    ti = _tail(item_table, ts)
    return _run(x.reshape(-1), user_table.T, item_table.T, tu, ti)

# --- scband reference (transcript-rebuilt; emitter-appended) ---
"""Pipeline reference for scband-pre-train-85478439125815 (READ-ONLY COPY).

The authoritative reference and input builder live on the scoring server;
editing this copy changes nothing except your own understanding.
"""

import jax, jax.numpy as jnp
import numpy as np

UID_S = 1000000
IID_S = 1000000
LATENT = 16
BATCH = 16384

def setup_inputs(seed: int = 0) -> dict:
    key = jax.random.key(seed)
    k1, k2, k3 = jax.random.split(key, 3)
    x = jax.random.randint(k1, (BATCH, 2), 0, UID_S).astype(jnp.int32)
    user_table = jax.random.normal(k2, (UID_S, LATENT), dtype=jnp.float32)
    item_table = jax.random.normal(k3, (IID_S + 1, LATENT), dtype=jnp.float32)
    return {"x": x, "user_table": user_table, "item_table": item_table}

def reference(x, user_table, item_table):
    # stage == 'train_src': MF lookup on src tables, then dot product per row
    uid_emb = jnp.take(user_table, x[:, 0], axis=0)  # [B, latent]
    iid_emb = jnp.take(item_table, x[:, 1], axis=0)  # [B, latent]
    # emb = concat([uid_emb[:,None,:], iid_emb[:,None,:]], dim=1); out = sum(emb[:,0]*emb[:,1], -1)
    out = jnp.sum(uid_emb * iid_emb, axis=1)  # [B]
    return out

if __name__ == "__main__":
    import jax
    _d = setup_inputs()
    print(jax.jit(kernel)(*tuple(_d.values())))

</pallas_src>

<mosaic_0001>
#map = affine_map<(d0, d1) -> (0)>
#map1 = affine_map<(d0, d1) -> (0, 0)>
module attributes {stable_mosaic.version = 14 : i64} {
  func.func @_tile_body(%arg0: i32, %arg1: i32, %arg2: memref<32768xi32, #tpu.memory_space<hbm>>, %arg3: memref<16x1000000xf32, #tpu.memory_space<hbm>>, %arg4: memref<16x1000001xf32, #tpu.memory_space<hbm>>, %arg5: memref<2048xf32, #tpu.memory_space<hbm>>, %arg6: memref<2048xf32, #tpu.memory_space<hbm>>, %arg7: memref<16384xf32, #tpu.memory_space<hbm>>, %arg8: memref<1024xi32, #tpu.memory_space<vmem>>, %arg9: memref<2048xf32, #tpu.memory_space<vmem>>, %arg10: memref<2048xf32, #tpu.memory_space<vmem>>, %arg11: memref<256x128xf32, #tpu.memory_space<vmem>>, %arg12: memref<256x128xf32, #tpu.memory_space<vmem>>, %arg13: memref<512xf32, #tpu.memory_space<vmem>>, %arg14: memref<!tpu.dma_semaphore, #tpu.memory_space<semaphore_mem>>, %arg15: memref<!tpu.dma_semaphore, #tpu.memory_space<semaphore_mem>>) attributes {dimension_semantics = [#tpu.dimension_semantics<core_parallel>, #tpu.dimension_semantics<subcore_parallel>], iteration_bounds = array<i64: 2, 16>, scalar_prefetch = 0 : i64, scratch_operands = 8 : i64, tpu.core_type = #tpu.core_type<sc_vector_subcore>, window_params = [{transform_indices = #map}, {transform_indices = #map1}, {transform_indices = #map1}, {transform_indices = #map}, {transform_indices = #map}, {transform_indices = #map}]} {
    %mul3A = arith.constant 2 : i32
    %mul3A_0 = arith.muli %arg1, %mul3A : i32
    %add3A = arith.addi %mul3A_0, %arg0 : i32
    %mul3A_1 = arith.constant 512 : i32
    %mul3A_2 = arith.muli %add3A, %mul3A_1 : i32
    %mul3A_3 = arith.constant 2 : i32
    %mul3A_4 = arith.muli %mul3A_2, %mul3A_3 : i32
    "tpu.region"() ({
      %run_scoped3A = tpu.sem_alloc : memref<!tpu.dma_semaphore, #tpu.memory_space<semaphore_mem>>
      %dma_start3A = tpu.memref_slice %arg2[%mul3A_4] : memref<32768xi32, #tpu.memory_space<hbm>> -> memref<1024xi32, #tpu.memory_space<hbm>>
      %dma_start3A_10 = tpu.memref_slice %arg2[%mul3A_4] : memref<32768xi32, #tpu.memory_space<hbm>> -> memref<1024xi32, #tpu.memory_space<hbm>>
      tpu.enqueue_dma source(%dma_start3A_10 : memref<1024xi32, #tpu.memory_space<hbm>>) target(%arg8 : memref<1024xi32, #tpu.memory_space<vmem>>) target_semaphore(%run_scoped3A : memref<!tpu.dma_semaphore, #tpu.memory_space<semaphore_mem>>)
      %dma_wait3A = tpu.memref_slice %arg2[%mul3A_4] : memref<32768xi32, #tpu.memory_space<hbm>> -> memref<1024xi32, #tpu.memory_space<hbm>>
      %dma_wait3A_11 = tpu.memref_slice %arg2[%mul3A_4] : memref<32768xi32, #tpu.memory_space<hbm>> -> memref<1024xi32, #tpu.memory_space<hbm>>
      tpu.wait_dma2 semaphore(%run_scoped3A : memref<!tpu.dma_semaphore, #tpu.memory_space<semaphore_mem>>) src(%dma_wait3A_11 : memref<1024xi32, #tpu.memory_space<hbm>>) dst(%arg8 : memref<1024xi32, #tpu.memory_space<vmem>>)
      tpu.yield
    }) : () -> ()
    "tpu.region"() ({
      %run_scoped3A = tpu.sem_alloc : memref<!tpu.dma_semaphore, #tpu.memory_space<semaphore_mem>>
      tpu.enqueue_dma source(%arg5 : memref<2048xf32, #tpu.memory_space<hbm>>) target(%arg9 : memref<2048xf32, #tpu.memory_space<vmem>>) target_semaphore(%run_scoped3A : memref<!tpu.dma_semaphore, #tpu.memory_space<semaphore_mem>>)
      tpu.wait_dma2 semaphore(%run_scoped3A : memref<!tpu.dma_semaphore, #tpu.memory_space<semaphore_mem>>) src(%arg5 : memref<2048xf32, #tpu.memory_space<hbm>>) dst(%arg9 : memref<2048xf32, #tpu.memory_space<vmem>>)
      tpu.yield
    }) : () -> ()
    "tpu.region"() ({
      %run_scoped3A = tpu.sem_alloc : memref<!tpu.dma_semaphore, #tpu.memory_space<semaphore_mem>>
      tpu.enqueue_dma source(%arg6 : memref<2048xf32, #tpu.memory_space<hbm>>) target(%arg10 : memref<2048xf32, #tpu.memory_space<vmem>>) target_semaphore(%run_scoped3A : memref<!tpu.dma_semaphore, #tpu.memory_space<semaphore_mem>>)
      tpu.wait_dma2 semaphore(%run_scoped3A : memref<!tpu.dma_semaphore, #tpu.memory_space<semaphore_mem>>) src(%arg6 : memref<2048xf32, #tpu.memory_space<hbm>>) dst(%arg10 : memref<2048xf32, #tpu.memory_space<vmem>>)
      tpu.yield
    }) : () -> ()
    %iota3A = tpu.iota {dimensions = array<i32: 0>} : vector<16xi32>
    %scan3A = arith.constant 0 : i32
    %scan3A_5 = arith.constant 0 : i32
    %scan3A_6 = arith.constant 32 : i32
    %scan3A_7 = arith.addi %scan3A_5, %scan3A_6 : i32
    %scan3A_8 = arith.constant 1 : i32
    scf.for %scan3A_10 = %scan3A_5 to %scan3A_7 step %scan3A_8  : i32 {
      %mul3A_11 = arith.constant 16 : i32
      %mul3A_12 = arith.muli %scan3A_10, %mul3A_11 : i32
      %add3A_13 = vector.broadcast %mul3A_12 : i32 to vector<16xi32>
      %add3A_14 = arith.addi %add3A_13, %iota3A : vector<16xi32>
      %mul3A_15 = arith.constant 2 : i32
      %mul3A_16 = vector.broadcast %mul3A_15 : i32 to vector<16xi32>
      %mul3A_17 = arith.muli %add3A_14, %mul3A_16 : vector<16xi32>
      %gather3A = tpu.vector_load_idx %arg8[%mul3A_17] : memref<1024xi32, #tpu.memory_space<vmem>>[vector<16xi32>], vector<16xi32>,
      %add3A_18 = vector.broadcast %mul3A_12 : i32 to vector<16xi32>
      %add3A_19 = arith.addi %add3A_18, %iota3A : vector<16xi32>
      %mul3A_20 = arith.constant 2 : i32
      %mul3A_21 = vector.broadcast %mul3A_20 : i32 to vector<16xi32>
      %mul3A_22 = arith.muli %add3A_19, %mul3A_21 : vector<16xi32>
      %add3A_23 = arith.constant 1 : i32
      %add3A_24 = vector.broadcast %add3A_23 : i32 to vector<16xi32>
      %add3A_25 = arith.addi %mul3A_22, %add3A_24 : vector<16xi32>
      %gather3A_26 = tpu.vector_load_idx %arg8[%add3A_25] : memref<1024xi32, #tpu.memory_space<vmem>>[vector<16xi32>], vector<16xi32>,
      %shift_right_arithmetic3A = arith.constant 7 : i32
      %shift_right_arithmetic3A_27 = vector.broadcast %shift_right_arithmetic3A : i32 to vector<16xi32>
      %shift_right_arithmetic3A_28 = arith.shrsi %gather3A, %shift_right_arithmetic3A_27 : vector<16xi32>
      %shift_left3A = arith.constant 7 : i32
      %shift_left3A_29 = vector.broadcast %shift_left3A : i32 to vector<16xi32>
      %shift_left3A_30 = arith.shli %shift_right_arithmetic3A_28, %shift_left3A_29 : vector<16xi32>
      %min3A = arith.constant 999808 : i32
      %min3A_31 = vector.broadcast %min3A : i32 to vector<16xi32>
      %min3A_32 = arith.minsi %shift_left3A_30, %min3A_31 : vector<16xi32>
      %shift_right_arithmetic3A_33 = arith.constant 7 : i32
      %shift_right_arithmetic3A_34 = vector.broadcast %shift_right_arithmetic3A_33 : i32 to vector<16xi32>
      %shift_right_arithmetic3A_35 = arith.shrsi %gather3A_26, %shift_right_arithmetic3A_34 : vector<16xi32>
      %shift_left3A_36 = arith.constant 7 : i32
      %shift_left3A_37 = vector.broadcast %shift_left3A_36 : i32 to vector<16xi32>
      %shift_left3A_38 = arith.shli %shift_right_arithmetic3A_35, %shift_left3A_37 : vector<16xi32>
      %min3A_39 = arith.constant 999808 : i32
      %min3A_40 = vector.broadcast %min3A_39 : i32 to vector<16xi32>
      %min3A_41 = arith.minsi %shift_left3A_38, %min3A_40 : vector<16xi32>
      %slice3A = vector.extract_strided_slice %min3A_32 {offsets = [0], sizes = [1], strides = [1]} : vector<16xi32> to vector<1xi32>
      %squeeze3A = vector.extract %slice3A[0] : i32 from vector<1xi32>
      %multiple_of3A = tpu.assume_multiple %squeeze3A, 128 : i32
      %slice3A_42 = vector.extract_strided_slice %min3A_41 {offsets = [0], sizes = [1], strides = [1]} : vector<16xi32> to vector<1xi32>
      %squeeze3A_43 = vector.extract %slice3A_42[0] : i32 from vector<1xi32>
      %multiple_of3A_44 = tpu.assume_multiple %squeeze3A_43, 128 : i32
      %dma_start3A = arith.constant 0 : i32
      %dma_start3A_45 = arith.constant 0 : i32
      %dma_start3A_46 = tpu.memref_slice %arg11[%dma_start3A, %dma_start3A_45] : memref<256x128xf32, #tpu.memory_space<vmem>> -> memref<16x128xf32, #tpu.memory_space<vmem>>
      %dma_start3A_47 = arith.constant 0 : i32
      %dma_start3A_48 = tpu.memref_slice %arg3[%dma_start3A_47, %multiple_of3A] : memref<16x1000000xf32, #tpu.memory_space<hbm>> -> memref<16x128xf32, #tpu.memory_space<hbm>>
      %dma_start3A_49 = arith.constant 0 : i32
      %dma_start3A_50 = arith.constant 0 : i32
      %dma_start3A_51 = tpu.memref_slice %arg11[%dma_start3A_49, %dma_start3A_50] : memref<256x128xf32, #tpu.memory_space<vmem>> -> memref<16x128xf32, #tpu.memory_space<vmem>>
      %dma_start3A_52 = arith.constant 0 : i32
      %dma_start3A_53 = tpu.memref_slice %arg3[%dma_start3A_52, %multiple_of3A] : memref<16x1000000xf32, #tpu.memory_space<hbm>> -> memref<16x128xf32, #tpu.memory_space<hbm>>
      tpu.enqueue_dma source(%dma_start3A_53 : memref<16x128xf32, #tpu.memory_space<hbm>>) target(%dma_start3A_51 : memref<16x128xf32, #tpu.memory_space<vmem>>) target_semaphore(%arg14 : memref<!tpu.dma_semaphore, #tpu.memory_space<semaphore_mem>>)
      %dma_start3A_54 = arith.constant 0 : i32
      %dma_start3A_55 = arith.constant 0 : i32
      %dma_start3A_56 = tpu.memref_slice %arg12[%dma_start3A_54, %dma_start3A_55] : memref<256x128xf32, #tpu.memory_space<vmem>> -> memref<16x128xf32, #tpu.memory_space<vmem>>
      %dma_start3A_57 = arith.constant 0 : i32
      %dma_start3A_58 = tpu.memref_slice %arg4[%dma_start3A_57, %multiple_of3A_44] : memref<16x1000001xf32, #tpu.memory_space<hbm>> -> memref<16x128xf32, #tpu.memory_space<hbm>>
      %dma_start3A_59 = arith.constant 0 : i32
      %dma_start3A_60 = arith.constant 0 : i32
      %dma_start3A_61 = tpu.memref_slice %arg12[%dma_start3A_59, %dma_start3A_60] : memref<256x128xf32, #tpu.memory_space<vmem>> -> memref<16x128xf32, #tpu.memory_space<vmem>>
      %dma_start3A_62 = arith.constant 0 : i32
      %dma_start3A_63 = tpu.memref_slice %arg4[%dma_start3A_62, %multiple_of3A_44] : memref<16x1000001xf32, #tpu.memory_space<hbm>> -> memref<16x128xf32, #tpu.memory_space<hbm>>
      tpu.enqueue_dma source(%dma_start3A_63 : memref<16x128xf32, #tpu.memory_space<hbm>>) target(%dma_start3A_61 : memref<16x128xf32, #tpu.memory_space<vmem>>) target_semaphore(%arg15 : memref<!tpu.dma_semaphore, #tpu.memory_space<semaphore_mem>>)
      %slice3A_64 = vector.extract_strided_slice %min3A_32 {offsets = [1], sizes = [1], strides = [1]} : vector<16xi32> to vector<1xi32>
      %squeeze3A_65 = vector.extract %slice3A_64[0] : i32 from vector<1xi32>
      %multiple_of3A_66 = tpu.assume_multiple %squeeze3A_65, 128 : i32
      %slice3A_67 = vector.extract_strided_slice %min3A_41 {offsets = [1], sizes = [1], strides = [1]} : vector<16xi32> to vector<1xi32>
      %squeeze3A_68 = vector.extract %slice3A_67[0] : i32 from vector<1xi32>
      %multiple_of3A_69 = tpu.assume_multiple %squeeze3A_68, 128 : i32
      %dma_start3A_70 = arith.constant 16 : i32
      %dma_start3A_71 = arith.constant 0 : i32
      %dma_start3A_72 = tpu.memref_slice %arg11[%dma_start3A_70, %dma_start3A_71] : memref<256x128xf32, #tpu.memory_space<vmem>> -> memref<16x128xf32, #tpu.memory_space<vmem>>
      %dma_start3A_73 = arith.constant 0 : i32
      %dma_start3A_74 = tpu.memref_slice %arg3[%dma_start3A_73, %multiple_of3A_66] : memref<16x1000000xf32, #tpu.memory_space<hbm>> -> memref<16x128xf32, #tpu.memory_space<hbm>>
      %dma_start3A_75 = arith.constant 16 : i32
      %dma_start3A_76 = arith.constant 0 : i32
      %dma_start3A_77 = tpu.memref_slice %arg11[%dma_start3A_75, %dma_start3A_76] : memref<256x128xf32, #tpu.memory_space<vmem>> -> memref<16x128xf32, #tpu.memory_space<vmem>>
      %dma_start3A_78 = arith.constant 0 : i32
      %dma_start3A_79 = tpu.memref_slice %arg3[%dma_start3A_78, %multiple_of3A_66] : memref<16x1000000xf32, #tpu.memory_space<hbm>> -> memref<16x128xf32, #tpu.memory_space<hbm>>
      tpu.enqueue_dma source(%dma_start3A_79 : memref<16x128xf32, #tpu.memory_space<hbm>>) target(%dma_start3A_77 : memref<16x128xf32, #tpu.memory_space<vmem>>) target_semaphore(%arg14 : memref<!tpu.dma_semaphore, #tpu.memory_space<semaphore_mem>>)
      %dma_start3A_80 = arith.constant 16 : i32
      %dma_start3A_81 = arith.constant 0 : i32
      %dma_start3A_82 = tpu.memref_slice %arg12[%dma_start3A_80, %dma_start3A_81] : memref<256x128xf32, #tpu.memory_space<vmem>> -> memref<16x128xf32, #tpu.memory_space<vmem>>
      %dma_start3A_83 = arith.constant 0 : i32
      %dma_start3A_84 = tpu.memref_slice %arg4[%dma_start3A_83, %multiple_of3A_69] : memref<16x1000001xf32, #tpu.memory_space<hbm>> -> memref<16x128xf32, #tpu.memory_space<hbm>>
      %dma_start3A_85 = arith.constant 16 : i32
      %dma_start3A_86 = arith.constant 0 : i32
      %dma_start3A_87 = tpu.memref_slice %arg12[%dma_start3A_85, %dma_start3A_86] : memref<256x128xf32, #tpu.memory_space<vmem>> -> memref<16x128xf32, #tpu.memory_space<vmem>>
      %dma_start3A_88 = arith.constant 0 : i32
      %dma_start3A_89 = tpu.memref_slice %arg4[%dma_start3A_88, %multiple_of3A_69] : memref<16x1000001xf32, #tpu.memory_space<hbm>> -> memref<16x128xf32, #tpu.memory_space<hbm>>
      tpu.enqueue_dma source(%dma_start3A_89 : memref<16x128xf32, #tpu.memory_space<hbm>>) target(%dma_start3A_87 : memref<16x128xf32, #tpu.memory_space<vmem>>) target_semaphore(%arg15 : memref<!tpu.dma_semaphore, #tpu.memory_space<semaphore_mem>>)
      %slice3A_90 = vector.extract_strided_slice %min3A_32 {offsets = [2], sizes = [1], strides = [1]} : vector<16xi32> to vector<1xi32>
      %squeeze3A_91 = vector.extract %slice3A_90[0] : i32 from vector<1xi32>
      %multiple_of3A_92 = tpu.assume_multiple %squeeze3A_91, 128 : i32
      %slice3A_93 = vector.extract_strided_slice %min3A_41 {offsets = [2], sizes = [1], strides = [1]} : vector<16xi32> to vector<1xi32>
      %squeeze3A_94 = vector.extract %slice3A_93[0] : i32 from vector<1xi32>
      %multiple_of3A_95 = tpu.assume_multiple %squeeze3A_94, 128 : i32
      %dma_start3A_96 = arith.constant 32 : i32
      %dma_start3A_97 = arith.constant 0 : i32
      %dma_start3A_98 = tpu.memref_slice %arg11[%dma_start3A_96, %dma_start3A_97] : memref<256x128xf32, #tpu.memory_space<vmem>> -> memref<16x128xf32, #tpu.memory_space<vmem>>
      %dma_start3A_99 = arith.constant 0 : i32
      %dma_start3A_100 = tpu.memref_slice %arg3[%dma_start3A_99, %multiple_of3A_92] : memref<16x1000000xf32, #tpu.memory_space<hbm>> -> memref<16x128xf32, #tpu.memory_space<hbm>>
      %dma_start3A_101 = arith.constant 32 : i32
      %dma_start3A_102 = arith.constant 0 : i32
      %dma_start3A_103 = tpu.memref_slice %arg11[%dma_start3A_101, %dma_start3A_102] : memref<256x128xf32, #tpu.memory_space<vmem>> -> memref<16x128xf32, #tpu.memory_space<vmem>>
      %dma_start3A_104 = arith.constant 0 : i32
      %dma_start3A_105 = tpu.memref_slice %arg3[%dma_start3A_104, %multiple_of3A_92] : memref<16x1000000xf32, #tpu.memory_space<hbm>> -> memref<16x128xf32, #tpu.memory_space<hbm>>
      tpu.enqueue_dma source(%dma_start3A_105 : memref<16x128xf32, #tpu.memory_space<hbm>>) target(%dma_start3A_103 : memref<16x128xf32, #tpu.memory_space<vmem>>) target_semaphore(%arg14 : memref<!tpu.dma_semaphore, #tpu.memory_space<semaphore_mem>>)
      %dma_start3A_106 = arith.constant 32 : i32
      %dma_start3A_107 = arith.constant 0 : i32
      %dma_start3A_108 = tpu.memref_slice %arg12[%dma_start3A_106, %dma_start3A_107] : memref<256x128xf32, #tpu.memory_space<vmem>> -> memref<16x128xf32, #tpu.memory_space<vmem>>
      %dma_start3A_109 = arith.constant 0 : i32
      %dma_start3A_110 = tpu.memref_slice %arg4[%dma_start3A_109, %multiple_of3A_95] : memref<16x1000001xf32, #tpu.memory_space<hbm>> -> memref<16x128xf32, #tpu.memory_space<hbm>>
      %dma_start3A_111 = arith.constant 32 : i32
      %dma_start3A_112 = arith.constant 0 : i32
      %dma_start3A_113 = tpu.memref_slice %arg12[%dma_start3A_111, %dma_start3A_112] : memref<256x128xf32, #tpu.memory_space<vmem>> -> memref<16x128xf32, #tpu.memory_space<vmem>>
      %dma_start3A_114 = arith.constant 0 : i32
      %dma_start3A_115 = tpu.memref_slice %arg4[%dma_start3A_114, %multiple_of3A_95] : memref<16x1000001xf32, #tpu.memory_space<hbm>> -> memref<16x128xf32, #tpu.memory_space<hbm>>
      tpu.enqueue_dma source(%dma_start3A_115 : memref<16x128xf32, #tpu.memory_space<hbm>>) target(%dma_start3A_113 : memref<16x128xf32, #tpu.memory_space<vmem>>) target_semaphore(%arg15 : memref<!tpu.dma_semaphore, #tpu.memory_space<semaphore_mem>>)
      %slice3A_116 = vector.extract_strided_slice %min3A_32 {offsets = [3], sizes = [1], strides = [1]} : vector<16xi32> to vector<1xi32>
      %squeeze3A_117 = vector.extract %slice3A_116[0] : i32 from vector<1xi32>
      %multiple_of3A_118 = tpu.assume_multiple %squeeze3A_117, 128 : i32
      %slice3A_119 = vector.extract_strided_slice %min3A_41 {offsets = [3], sizes = [1], strides = [1]} : vector<16xi32> to vector<1xi32>
      %squeeze3A_120 = vector.extract %slice3A_119[0] : i32 from vector<1xi32>
      %multiple_of3A_121 = tpu.assume_multiple %squeeze3A_120, 128 : i32
      %dma_start3A_122 = arith.constant 48 : i32
      %dma_start3A_123 = arith.constant 0 : i32
      %dma_start3A_124 = tpu.memref_slice %arg11[%dma_start3A_122, %dma_start3A_123] : memref<256x128xf32, #tpu.memory_space<vmem>> -> memref<16x128xf32, #tpu.memory_space<vmem>>
      %dma_start3A_125 = arith.constant 0 : i32
      %dma_start3A_126 = tpu.memref_slice %arg3[%dma_start3A_125, %multiple_of3A_118] : memref<16x1000000xf32, #tpu.memory_space<hbm>> -> memref<16x128xf32, #tpu.memory_space<hbm>>
      %dma_start3A_127 = arith.constant 48 : i32
      %dma_start3A_128 = arith.constant 0 : i32
      %dma_start3A_129 = tpu.memref_slice %arg11[%dma_start3A_127, %dma_start3A_128] : memref<256x128xf32, #tpu.memory_space<vmem>> -> memref<16x128xf32, #tpu.memory_space<vmem>>
      %dma_start3A_130 = arith.constant 0 : i32
      %dma_start3A_131 = tpu.memref_slice %arg3[%dma_start3A_130, %multiple_of3A_118] : memref<16x1000000xf32, #tpu.memory_space<hbm>> -> memref<16x128xf32, #tpu.memory_space<hbm>>
      tpu.enqueue_dma source(%dma_start3A_131 : memref<16x128xf32, #tpu.memory_space<hbm>>) target(%dma_start3A_129 : memref<16x128xf32, #tpu.memory_space<vmem>>) target_semaphore(%arg14 : memref<!tpu.dma_semaphore, #tpu.memory_space<semaphore_mem>>)
      %dma_start3A_132 = arith.constant 48 : i32
      %dma_start3A_133 = arith.constant 0 : i32
      %dma_start3A_134 = tpu.memref_slice %arg12[%dma_start3A_132, %dma_start3A_133] : memref<256x128xf32, #tpu.memory_space<vmem>> -> memref<16x128xf32, #tpu.memory_space<vmem>>
      %dma_start3A_135 = arith.constant 0 : i32
      %dma_start3A_136 = tpu.memref_slice %arg4[%dma_start3A_135, %multiple_of3A_121] : memref<16x1000001xf32, #tpu.memory_space<hbm>> -> memref<16x128xf32, #tpu.memory_space<hbm>>
      %dma_start3A_137 = arith.constant 48 : i32
      %dma_start3A_138 = arith.constant 0 : i32
      %dma_start3A_139 = tpu.memref_slice %arg12[%dma_start3A_137, %dma_start3A_138] : memref<256x128xf32, #tpu.memory_space<vmem>> -> memref<16x128xf32, #tpu.memory_space<vmem>>
      %dma_start3A_140 = arith.constant 0 : i32
      %dma_start3A_141 = tpu.memref_slice %arg4[%dma_start3A_140, %multiple_of3A_121] : memref<16x1000001xf32, #tpu.memory_space<hbm>> -> memref<16x128xf32, #tpu.memory_space<hbm>>
      tpu.enqueue_dma source(%dma_start3A_141 : memref<16x128xf32, #tpu.memory_space<hbm>>) target(%dma_start3A_139 : memref<16x128xf32, #tpu.memory_space<vmem>>) target_semaphore(%arg15 : memref<!tpu.dma_semaphore, #tpu.memory_space<semaphore_mem>>)
      %slice3A_142 = vector.extract_strided_slice %min3A_32 {offsets = [4], sizes = [1], strides = [1]} : vector<16xi32> to vector<1xi32>
      %squeeze3A_143 = vector.extract %slice3A_142[0] : i32 from vector<1xi32>
      %multiple_of3A_144 = tpu.assume_multiple %squeeze3A_143, 128 : i32
      %slice3A_145 = vector.extract_strided_slice %min3A_41 {offsets = [4], sizes = [1], strides = [1]} : vector<16xi32> to vector<1xi32>
      %squeeze3A_146 = vector.extract %slice3A_145[0] : i32 from vector<1xi32>
      %multiple_of3A_147 = tpu.assume_multiple %squeeze3A_146, 128 : i32
      %dma_start3A_148 = arith.constant 64 : i32
      %dma_start3A_149 = arith.constant 0 : i32
      %dma_start3A_150 = tpu.memref_slice %arg11[%dma_start3A_148, %dma_start3A_149] : memref<256x128xf32, #tpu.memory_space<vmem>> -> memref<16x128xf32, #tpu.memory_space<vmem>>
      %dma_start3A_151 = arith.constant 0 : i32
      %dma_start3A_152 = tpu.memref_slice %arg3[%dma_start3A_151, %multiple_of3A_144] : memref<16x1000000xf32, #tpu.memory_space<hbm>> -> memref<16x128xf32, #tpu.memory_space<hbm>>
      %dma_start3A_153 = arith.constant 64 : i32
      %dma_start3A_154 = arith.constant 0 : i32
      %dma_start3A_155 = tpu.memref_slice %arg11[%dma_start3A_153, %dma_start3A_154] : memref<256x128xf32, #tpu.memory_space<vmem>> -> memref<16x128xf32, #tpu.memory_space<vmem>>
      %dma_start3A_156 = arith.constant 0 : i32
      %dma_start3A_157 = tpu.memref_slice %arg3[%dma_start3A_156, %multiple_of3A_144] : memref<16x1000000xf32, #tpu.memory_space<hbm>> -> memref<16x128xf32, #tpu.memory_space<hbm>>
      tpu.enqueue_dma source(%dma_start3A_157 : memref<16x128xf32, #tpu.memory_space<hbm>>) target(%dma_start3A_155 : memref<16x128xf32, #tpu.memory_space<vmem>>) target_semaphore(%arg14 : memref<!tpu.dma_semaphore, #tpu.memory_space<semaphore_mem>>)
      %dma_start3A_158 = arith.constant 64 : i32
      %dma_start3A_159 = arith.constant 0 : i32
      %dma_start3A_160 = tpu.memref_slice %arg12[%dma_start3A_158, %dma_start3A_159] : memref<256x128xf32, #tpu.memory_space<vmem>> -> memref<16x128xf32, #tpu.memory_space<vmem>>
      %dma_start3A_161 = arith.constant 0 : i32
      %dma_start3A_162 = tpu.memref_slice %arg4[%dma_start3A_161, %multiple_of3A_147] : memref<16x1000001xf32, #tpu.memory_space<hbm>> -> memref<16x128xf32, #tpu.memory_space<hbm>>
      %dma_start3A_163 = arith.constant 64 : i32
      %dma_start3A_164 = arith.constant 0 : i32
      %dma_start3A_165 = tpu.memref_slice %arg12[%dma_start3A_163, %dma_start3A_164] : memref<256x128xf32, #tpu.memory_space<vmem>> -> memref<16x128xf32, #tpu.memory_space<vmem>>
      %dma_start3A_166 = arith.constant 0 : i32
      %dma_start3A_167 = tpu.memref_slice %arg4[%dma_start3A_166, %multiple_of3A_147] : memref<16x1000001xf32, #tpu.memory_space<hbm>> -> memref<16x128xf32, #tpu.memory_space<hbm>>
      tpu.enqueue_dma source(%dma_start3A_167 : memref<16x128xf32, #tpu.memory_space<hbm>>) target(%dma_start3A_165 : memref<16x128xf32, #tpu.memory_space<vmem>>) target_semaphore(%arg15 : memref<!tpu.dma_semaphore, #tpu.memory_space<semaphore_mem>>)
      %slice3A_168 = vector.extract_strided_slice %min3A_32 {offsets = [5], sizes = [1], strides = [1]} : vector<16xi32> to vector<1xi32>
      %squeeze3A_169 = vector.extract %slice3A_168[0] : i32 from vector<1xi32>
      %multiple_of3A_170 = tpu.assume_multiple %squeeze3A_169, 128 : i32
      %slice3A_171 = vector.extract_strided_slice %min3A_41 {offsets = [5], sizes = [1], strides = [1]} : vector<16xi32> to vector<1xi32>
      %squeeze3A_172 = vector.extract %slice3A_171[0] : i32 from vector<1xi32>
      %multiple_of3A_173 = tpu.assume_multiple %squeeze3A_172, 128 : i32
      %dma_start3A_174 = arith.constant 80 : i32
      %dma_start3A_175 = arith.constant 0 : i32
      %dma_start3A_176 = tpu.memref_slice %arg11[%dma_start3A_174, %dma_start3A_175] : memref<256x128xf32, #tpu.memory_space<vmem>> -> memref<16x128xf32, #tpu.memory_space<vmem>>
      %dma_start3A_177 = arith.constant 0 : i32
      %dma_start3A_178 = tpu.memref_slice %arg3[%dma_start3A_177, %multiple_of3A_170] : memref<16x1000000xf32, #tpu.memory_space<hbm>> -> memref<16x128xf32, #tpu.memory_space<hbm>>
      %dma_start3A_179 = arith.constant 80 : i32
      %dma_start3A_180 = arith.constant 0 : i32
      %dma_start3A_181 = tpu.memref_slice %arg11[%dma_start3A_179, %dma_start3A_180] : memref<256x128xf32, #tpu.memory_space<vmem>> -> memref<16x128xf32, #tpu.memory_space<vmem>>
      %dma_start3A_182 = arith.constant 0 : i32
      %dma_start3A_183 = tpu.memref_slice %arg3[%dma_start3A_182, %multiple_of3A_170] : memref<16x1000000xf32, #tpu.memory_space<hbm>> -> memref<16x128xf32, #tpu.memory_space<hbm>>
      tpu.enqueue_dma source(%dma_start3A_183 : memref<16x128xf32, #tpu.memory_space<hbm>>) target(%dma_start3A_181 : memref<16x128xf32, #tpu.memory_space<vmem>>) target_semaphore(%arg14 : memref<!tpu.dma_semaphore, #tpu.memory_space<semaphore_mem>>)
      %dma_start3A_184 = arith.constant 80 : i32
      %dma_start3A_185 = arith.constant 0 : i32
      %dma_start3A_186 = tpu.memref_slice %arg12[%dma_start3A_184, %dma_start3A_185] : memref<256x128xf32, #tpu.memory_space<vmem>> -> memref<16x128xf32, #tpu.memory_space<vmem>>
      %dma_start3A_187 = arith.constant 0 : i32
      %dma_start3A_188 = tpu.memref_slice %arg4[%dma_start3A_187, %multiple_of3A_173] : memref<16x1000001xf32, #tpu.memory_space<hbm>> -> memref<16x128xf32, #tpu.memory_space<hbm>>
      %dma_start3A_189 = arith.constant 80 : i32
      %dma_start3A_190 = arith.constant 0 : i32
      %dma_start3A_191 = tpu.memref_slice %arg12[%dma_start3A_189, %dma_start3A_190] : memref<256x128xf32, #tpu.memory_space<vmem>> -> memref<16x128xf32, #tpu.memory_space<vmem>>
      %dma_start3A_192 = arith.constant 0 : i32
      %dma_start3A_193 = tpu.memref_slice %arg4[%dma_start3A_192, %multiple_of3A_173] : memref<16x1000001xf32, #tpu.memory_space<hbm>> -> memref<16x128xf32, #tpu.memory_space<hbm>>
      tpu.enqueue_dma source(%dma_start3A_193 : memref<16x128xf32, #tpu.memory_space<hbm>>) target(%dma_start3A_191 : memref<16x128xf32, #tpu.memory_space<vmem>>) target_semaphore(%arg15 : memref<!tpu.dma_semaphore, #tpu.memory_space<semaphore_mem>>)
      %slice3A_194 = vector.extract_strided_slice %min3A_32 {offsets = [6], sizes = [1], strides = [1]} : vector<16xi32> to vector<1xi32>
      %squeeze3A_195 = vector.extract %slice3A_194[0] : i32 from vector<1xi32>
      %multiple_of3A_196 = tpu.assume_multiple %squeeze3A_195, 128 : i32
      %slice3A_197 = vector.extract_strided_slice %min3A_41 {offsets = [6], sizes = [1], strides = [1]} : vector<16xi32> to vector<1xi32>
      %squeeze3A_198 = vector.extract %slice3A_197[0] : i32 from vector<1xi32>
      %multiple_of3A_199 = tpu.assume_multiple %squeeze3A_198, 128 : i32
      %dma_start3A_200 = arith.constant 96 : i32
      %dma_start3A_201 = arith.constant 0 : i32
      %dma_start3A_202 = tpu.memref_slice %arg11[%dma_start3A_200, %dma_start3A_201] : memref<256x128xf32, #tpu.memory_space<vmem>> -> memref<16x128xf32, #tpu.memory_space<vmem>>
      %dma_start3A_203 = arith.constant 0 : i32
      %dma_start3A_204 = tpu.memref_slice %arg3[%dma_start3A_203, %multiple_of3A_196] : memref<16x1000000xf32, #tpu.memory_space<hbm>> -> memref<16x128xf32, #tpu.memory_space<hbm>>
      %dma_start3A_205 = arith.constant 96 : i32
      %dma_start3A_206 = arith.constant 0 : i32
      %dma_start3A_207 = tpu.memref_slice %arg11[%dma_start3A_205, %dma_start3A_206] : memref<256x128xf32, #tpu.memory_space<vmem>> -> memref<16x128xf32, #tpu.memory_space<vmem>>
      %dma_start3A_208 = arith.constant 0 : i32
      %dma_start3A_209 = tpu.memref_slice %arg3[%dma_start3A_208, %multiple_of3A_196] : memref<16x1000000xf32, #tpu.memory_space<hbm>> -> memref<16x128xf32, #tpu.memory_space<hbm>>
      tpu.enqueue_dma source(%dma_start3A_209 : memref<16x128xf32, #tpu.memory_space<hbm>>) target(%dma_start3A_207 : memref<16x128xf32, #tpu.memory_space<vmem>>) target_semaphore(%arg14 : memref<!tpu.dma_semaphore, #tpu.memory_space<semaphore_mem>>)
      %dma_start3A_210 = arith.constant 96 : i32
      %dma_start3A_211 = arith.constant 0 : i32
      %dma_start3A_212 = tpu.memref_slice %arg12[%dma_start3A_210, %dma_start3A_211] : memref<256x128xf32, #tpu.memory_space<vmem>> -> memref<16x128xf32, #tpu.memory_space<vmem>>
      %dma_start3A_213 = arith.constant 0 : i32
      %dma_start3A_214 = tpu.memref_slice %arg4[%dma_start3A_213, %multiple_of3A_199] : memref<16x1000001xf32, #tpu.memory_space<hbm>> -> memref<16x128xf32, #tpu.memory_space<hbm>>
      %dma_start3A_215 = arith.constant 96 : i32
      %dma_start3A_216 = arith.constant 0 : i32
      %dma_start3A_217 = tpu.memref_slice %arg12[%dma_start3A_215, %dma_start3A_216] : memref<256x128xf32, #tpu.memory_space<vmem>> -> memref<16x128xf32, #tpu.memory_space<vmem>>
      %dma_start3A_218 = arith.constant 0 : i32
      %dma_start3A_219 = tpu.memref_slice %arg4[%dma_start3A_218, %multiple_of3A_199] : memref<16x1000001xf32, #tpu.memory_space<hbm>> -> memref<16x128xf32, #tpu.memory_space<hbm>>
      tpu.enqueue_dma source(%dma_start3A_219 : memref<16x128xf32, #tpu.memory_space<hbm>>) target(%dma_start3A_217 : memref<16x128xf32, #tpu.memory_space<vmem>>) target_semaphore(%arg15 : memref<!tpu.dma_semaphore, #tpu.memory_space<semaphore_mem>>)
      %slice3A_220 = vector.extract_strided_slice %min3A_32 {offsets = [7], sizes = [1], strides = [1]} : vector<16xi32> to vector<1xi32>
      %squeeze3A_221 = vector.extract %slice3A_220[0] : i32 from vector<1xi32>
      %multiple_of3A_222 = tpu.assume_multiple %squeeze3A_221, 128 : i32
      %slice3A_223 = vector.extract_strided_slice %min3A_41 {offsets = [7], sizes = [1], strides = [1]} : vector<16xi32> to vector<1xi32>
      %squeeze3A_224 = vector.extract %slice3A_223[0] : i32 from vector<1xi32>
      %multiple_of3A_225 = tpu.assume_multiple %squeeze3A_224, 128 : i32
      %dma_start3A_226 = arith.constant 112 : i32
      %dma_start3A_227 = arith.constant 0 : i32
      %dma_start3A_228 = tpu.memref_slice %arg11[%dma_start3A_226, %dma_start3A_227] : memref<256x128xf32, #tpu.memory_space<vmem>> -> memref<16x128xf32, #tpu.memory_space<vmem>>
      %dma_start3A_229 = arith.constant 0 : i32
      %dma_start3A_230 = tpu.memref_slice %arg3[%dma_start3A_229, %multiple_of3A_222] : memref<16x1000000xf32, #tpu.memory_space<hbm>> -> memref<16x128xf32, #tpu.memory_space<hbm>>
      %dma_start3A_231 = arith.constant 112 : i32
      %dma_start3A_232 = arith.constant 0 : i32
      %dma_start3A_233 = tpu.memref_slice %arg11[%dma_start3A_231, %dma_start3A_232] : memref<256x128xf32, #tpu.memory_space<vmem>> -> memref<16x128xf32, #tpu.memory_space<vmem>>
      %dma_start3A_234 = arith.constant 0 : i32
      %dma_start3A_235 = tpu.memref_slice %arg3[%dma_start3A_234, %multiple_of3A_222] : memref<16x1000000xf32, #tpu.memory_space<hbm>> -> memref<16x128xf32, #tpu.memory_space<hbm>>
      tpu.enqueue_dma source(%dma_start3A_235 : memref<16x128xf32, #tpu.memory_space<hbm>>) target(%dma_start3A_233 : memref<16x128xf32, #tpu.memory_space<vmem>>) target_semaphore(%arg14 : memref<!tpu.dma_semaphore, #tpu.memory_space<semaphore_mem>>)
      %dma_start3A_236 = arith.constant 112 : i32
      %dma_start3A_237 = arith.constant 0 : i32
      %dma_start3A_238 = tpu.memref_slice %arg12[%dma_start3A_236, %dma_start3A_237] : memref<256x128xf32, #tpu.memory_space<vmem>> -> memref<16x128xf32, #tpu.memory_space<vmem>>
      %dma_start3A_239 = arith.constant 0 : i32
      %dma_start3A_240 = tpu.memref_slice %arg4[%dma_start3A_239, %multiple_of3A_225] : memref<16x1000001xf32, #tpu.memory_space<hbm>> -> memref<16x128xf32, #tpu.memory_space<hbm>>
      %dma_start3A_241 = arith.constant 112 : i32
      %dma_start3A_242 = arith.constant 0 : i32
      %dma_start3A_243 = tpu.memref_slice %arg12[%dma_start3A_241, %dma_start3A_242] : memref<256x128xf32, #tpu.memory_space<vmem>> -> memref<16x128xf32, #tpu.memory_space<vmem>>
      %dma_start3A_244 = arith.constant 0 : i32
      %dma_start3A_245 = tpu.memref_slice %arg4[%dma_start3A_244, %multiple_of3A_225] : memref<16x1000001xf32, #tpu.memory_space<hbm>> -> memref<16x128xf32, #tpu.memory_space<hbm>>
      tpu.enqueue_dma source(%dma_start3A_245 : memref<16x128xf32, #tpu.memory_space<hbm>>) target(%dma_start3A_243 : memref<16x128xf32, #tpu.memory_space<vmem>>) target_semaphore(%arg15 : memref<!tpu.dma_semaphore, #tpu.memory_space<semaphore_mem>>)
      %slice3A_246 = vector.extract_strided_slice %min3A_32 {offsets = [8], sizes = [1], strides = [1]} : vector<16xi32> to vector<1xi32>
      %squeeze3A_247 = vector.extract %slice3A_246[0] : i32 from vector<1xi32>
      %multiple_of3A_248 = tpu.assume_multiple %squeeze3A_247, 128 : i32
      %slice3A_249 = vector.extract_strided_slice %min3A_41 {offsets = [8], sizes = [1], strides = [1]} : vector<16xi32> to vector<1xi32>
      %squeeze3A_250 = vector.extract %slice3A_249[0] : i32 from vector<1xi32>
      %multiple_of3A_251 = tpu.assume_multiple %squeeze3A_250, 128 : i32
      %dma_start3A_252 = arith.constant 128 : i32
      %dma_start3A_253 = arith.constant 0 : i32
      %dma_start3A_254 = tpu.memref_slice %arg11[%dma_start3A_252, %dma_start3A_253] : memref<256x128xf32, #tpu.memory_space<vmem>> -> memref<16x128xf32, #tpu.memory_space<vmem>>
      %dma_start3A_255 = arith.constant 0 : i32
      %dma_start3A_256 = tpu.memref_slice %arg3[%dma_start3A_255, %multiple_of3A_248] : memref<16x1000000xf32, #tpu.memory_space<hbm>> -> memref<16x128xf32, #tpu.memory_space<hbm>>
      %dma_start3A_257 = arith.constant 128 : i32
      %dma_start3A_258 = arith.constant 0 : i32
      %dma_start3A_259 = tpu.memref_slice %arg11[%dma_start3A_257, %dma_start3A_258] : memref<256x128xf32, #tpu.memory_space<vmem>> -> memref<16x128xf32, #tpu.memory_space<vmem>>
      %dma_start3A_260 = arith.constant 0 : i32
      %dma_start3A_261 = tpu.memref_slice %arg3[%dma_start3A_260, %multiple_of3A_248] : memref<16x1000000xf32, #tpu.memory_space<hbm>> -> memref<16x128xf32, #tpu.memory_space<hbm>>
      tpu.enqueue_dma source(%dma_start3A_261 : memref<16x128xf32, #tpu.memory_space<hbm>>) target(%dma_start3A_259 : memref<16x128xf32, #tpu.memory_space<vmem>>) target_semaphore(%arg14 : memref<!tpu.dma_semaphore, #tpu.memory_space<semaphore_mem>>)
      %dma_start3A_262 = arith.constant 128 : i32
      %dma_start3A_263 = arith.constant 0 : i32
      %dma_start3A_264 = tpu.memref_slice %arg12[%dma_start3A_262, %dma_start3A_263] : memref<256x128xf32, #tpu.memory_space<vmem>> -> memref<16x128xf32, #tpu.memory_space<vmem>>
      %dma_start3A_265 = arith.constant 0 : i32
      %dma_start3A_266 = tpu.memref_slice %arg4[%dma_start3A_265, %multiple_of3A_251] : memref<16x1000001xf32, #tpu.memory_space<hbm>> -> memref<16x128xf32, #tpu.memory_space<hbm>>
      %dma_start3A_267 = arith.constant 128 : i32
      %dma_start3A_268 = arith.constant 0 : i32
      %dma_start3A_269 = tpu.memref_slice %arg12[%dma_start3A_267, %dma_start3A_268] : memref<256x128xf32, #tpu.memory_space<vmem>> -> memref<16x128xf32, #tpu.memory_space<vmem>>
      %dma_start3A_270 = arith.constant 0 : i32
      %dma_start3A_271 = tpu.memref_slice %arg4[%dma_start3A_270, %multiple_of3A_251] : memref<16x1000001xf32, #tpu.memory_space<hbm>> -> memref<16x128xf32, #tpu.memory_space<hbm>>
      tpu.enqueue_dma source(%dma_start3A_271 : memref<16x128xf32, #tpu.memory_space<hbm>>) target(%dma_start3A_269 : memref<16x128xf32, #tpu.memory_space<vmem>>) target_semaphore(%arg15 : memref<!tpu.dma_semaphore, #tpu.memory_space<semaphore_mem>>)
      %slice3A_272 = vector.extract_strided_slice %min3A_32 {offsets = [9], sizes = [1], strides = [1]} : vector<16xi32> to vector<1xi32>
      %squeeze3A_273 = vector.extract %slice3A_272[0] : i32 from vector<1xi32>
      %multiple_of3A_274 = tpu.assume_multiple %squeeze3A_273, 128 : i32
      %slice3A_275 = vector.extract_strided_slice %min3A_41 {offsets = [9], sizes = [1], strides = [1]} : vector<16xi32> to vector<1xi32>
      %squeeze3A_276 = vector.extract %slice3A_275[0] : i32 from vector<1xi32>
      %multiple_of3A_277 = tpu.assume_multiple %squeeze3A_276, 128 : i32
      %dma_start3A_278 = arith.constant 144 : i32
      %dma_start3A_279 = arith.constant 0 : i32
      %dma_start3A_280 = tpu.memref_slice %arg11[%dma_start3A_278, %dma_start3A_279] : memref<256x128xf32, #tpu.memory_space<vmem>> -> memref<16x128xf32, #tpu.memory_space<vmem>>
      %dma_start3A_281 = arith.constant 0 : i32
      %dma_start3A_282 = tpu.memref_slice %arg3[%dma_start3A_281, %multiple_of3A_274] : memref<16x1000000xf32, #tpu.memory_space<hbm>> -> memref<16x128xf32, #tpu.memory_space<hbm>>
      %dma_start3A_283 = arith.constant 144 : i32
      %dma_start3A_284 = arith.constant 0 : i32
      %dma_start3A_285 = tpu.memref_slice %arg11[%dma_start3A_283, %dma_start3A_284] : memref<256x128xf32, #tpu.memory_space<vmem>> -> memref<16x128xf32, #tpu.memory_space<vmem>>
      %dma_start3A_286 = arith.constant 0 : i32
      %dma_start3A_287 = tpu.memref_slice %arg3[%dma_start3A_286, %multiple_of3A_274] : memref<16x1000000xf32, #tpu.memory_space<hbm>> -> memref<16x128xf32, #tpu.memory_space<hbm>>
      tpu.enqueue_dma source(%dma_start3A_287 : memref<16x128xf32, #tpu.memory_space<hbm>>) target(%dma_start3A_285 : memref<16x128xf32, #tpu.memory_space<vmem>>) target_semaphore(%arg14 : memref<!tpu.dma_semaphore, #tpu.memory_space<semaphore_mem>>)
      %dma_start3A_288 = arith.constant 144 : i32
      %dma_start3A_289 = arith.constant 0 : i32
      %dma_start3A_290 = tpu.memref_slice %arg12[%dma_start3A_288, %dma_start3A_289] : memref<256x128xf32, #tpu.memory_space<vmem>> -> memref<16x128xf32, #tpu.memory_space<vmem>>
      %dma_start3A_291 = arith.constant 0 : i32
      %dma_start3A_292 = tpu.memref_slice %arg4[%dma_start3A_291, %multiple_of3A_277] : memref<16x1000001xf32, #tpu.memory_space<hbm>> -> memref<16x128xf32, #tpu.memory_space<hbm>>
      %dma_start3A_293 = arith.constant 144 : i32
      %dma_start3A_294 = arith.constant 0 : i32
      %dma_start3A_295 = tpu.memref_slice %arg12[%dma_start3A_293, %dma_start3A_294] : memref<256x128xf32, #tpu.memory_space<vmem>> -> memref<16x128xf32, #tpu.memory_space<vmem>>
      %dma_start3A_296 = arith.constant 0 : i32
      %dma_start3A_297 = tpu.memref_slice %arg4[%dma_start3A_296, %multiple_of3A_277] : memref<16x1000001xf32, #tpu.memory_space<hbm>> -> memref<16x128xf32, #tpu.memory_space<hbm>>
      tpu.enqueue_dma source(%dma_start3A_297 : memref<16x128xf32, #tpu.memory_space<hbm>>) target(%dma_start3A_295 : memref<16x128xf32, #tpu.memory_space<vmem>>) target_semaphore(%arg15 : memref<!tpu.dma_semaphore, #tpu.memory_space<semaphore_mem>>)
      %slice3A_298 = vector.extract_strided_slice %min3A_32 {offsets = [10], sizes = [1], strides = [1]} : vector<16xi32> to vector<1xi32>
      %squeeze3A_299 = vector.extract %slice3A_298[0] : i32 from vector<1xi32>
      %multiple_of3A_300 = tpu.assume_multiple %squeeze3A_299, 128 : i32
      %slice3A_301 = vector.extract_strided_slice %min3A_41 {offsets = [10], sizes = [1], strides = [1]} : vector<16xi32> to vector<1xi32>
      %squeeze3A_302 = vector.extract %slice3A_301[0] : i32 from vector<1xi32>
      %multiple_of3A_303 = tpu.assume_multiple %squeeze3A_302, 128 : i32
      %dma_start3A_304 = arith.constant 160 : i32
      %dma_start3A_305 = arith.constant 0 : i32
      %dma_start3A_306 = tpu.memref_slice %arg11[%dma_start3A_304, %dma_start3A_305] : memref<256x128xf32, #tpu.memory_space<vmem>> -> memref<16x128xf32, #tpu.memory_space<vmem>>
      %dma_start3A_307 = arith.constant 0 : i32
      %dma_start3A_308 = tpu.memref_slice %arg3[%dma_start3A_307, %multiple_of3A_300] : memref<16x1000000xf32, #tpu.memory_space<hbm>> -> memref<16x128xf32, #tpu.memory_space<hbm>>
      %dma_start3A_309 = arith.constant 160 : i32
      %dma_start3A_310 = arith.constant 0 : i32
      %dma_start3A_311 = tpu.memref_slice %arg11[%dma_start3A_309, %dma_start3A_310] : memref<256x128xf32, #tpu.memory_space<vmem>> -> memref<16x128xf32, #tpu.memory_space<vmem>>
      %dma_start3A_312 = arith.constant 0 : i32
      %dma_start3A_313 = tpu.memref_slice %arg3[%dma_start3A_312, %multiple_of3A_300] : memref<16x1000000xf32, #tpu.memory_space<hbm>> -> memref<16x128xf32, #tpu.memory_space<hbm>>
      tpu.enqueue_dma source(%dma_start3A_313 : memref<16x128xf32, #tpu.memory_space<hbm>>) target(%dma_start3A_311 : memref<16x128xf32, #tpu.memory_space<vmem>>) target_semaphore(%arg14 : memref<!tpu.dma_semaphore, #tpu.memory_space<semaphore_mem>>)
      %dma_start3A_314 = arith.constant 160 : i32
      %dma_start3A_315 = arith.constant 0 : i32
      %dma_start3A_316 = tpu.memref_slice %arg12[%dma_start3A_314, %dma_start3A_315] : memref<256x128xf32, #tpu.memory_space<vmem>> -> memref<16x128xf32, #tpu.memory_space<vmem>>
      %dma_start3A_317 = arith.constant 0 : i32
      %dma_start3A_318 = tpu.memref_slice %arg4[%dma_start3A_317, %multiple_of3A_303] : memref<16x1000001xf32, #tpu.memory_space<hbm>> -> memref<16x128xf32, #tpu.memory_space<hbm>>
      %dma_start3A_319 = arith.constant 160 : i32
      %dma_start3A_320 = arith.constant 0 : i32
      %dma_start3A_321 = tpu.memref_slice %arg12[%dma_start3A_319, %dma_start3A_320] : memref<256x128xf32, #tpu.memory_space<vmem>> -> memref<16x128xf32, #tpu.memory_space<vmem>>
      %dma_start3A_322 = arith.constant 0 : i32
      %dma_start3A_323 = tpu.memref_slice %arg4[%dma_start3A_322, %multiple_of3A_303] : memref<16x1000001xf32, #tpu.memory_space<hbm>> -> memref<16x128xf32, #tpu.memory_space<hbm>>
      tpu.enqueue_dma source(%dma_start3A_323 : memref<16x128xf32, #tpu.memory_space<hbm>>) target(%dma_start3A_321 : memref<16x128xf32, #tpu.memory_space<vmem>>) target_semaphore(%arg15 : memref<!tpu.dma_semaphore, #tpu.memory_space<semaphore_mem>>)
      %slice3A_324 = vector.extract_strided_slice %min3A_32 {offsets = [11], sizes = [1], strides = [1]} : vector<16xi32> to vector<1xi32>
      %squeeze3A_325 = vector.extract %slice3A_324[0] : i32 from vector<1xi32>
      %multiple_of3A_326 = tpu.assume_multiple %squeeze3A_325, 128 : i32
      %slice3A_327 = vector.extract_strided_slice %min3A_41 {offsets = [11], sizes = [1], strides = [1]} : vector<16xi32> to vector<1xi32>
      %squeeze3A_328 = vector.extract %slice3A_327[0] : i32 from vector<1xi32>
      %multiple_of3A_329 = tpu.assume_multiple %squeeze3A_328, 128 : i32
      %dma_start3A_330 = arith.constant 176 : i32
      %dma_start3A_331 = arith.constant 0 : i32
      %dma_start3A_332 = tpu.memref_slice %arg11[%dma_start3A_330, %dma_start3A_331] : memref<256x128xf32, #tpu.memory_space<vmem>> -> memref<16x128xf32, #tpu.memory_space<vmem>>
      %dma_start3A_333 = arith.constant 0 : i32
      %dma_start3A_334 = tpu.memref_slice %arg3[%dma_start3A_333, %multiple_of3A_326] : memref<16x1000000xf32, #tpu.memory_space<hbm>> -> memref<16x128xf32, #tpu.memory_space<hbm>>
      %dma_start3A_335 = arith.constant 176 : i32
      %dma_start3A_336 = arith.constant 0 : i32
      %dma_start3A_337 = tpu.memref_slice %arg11[%dma_start3A_335, %dma_start3A_336] : memref<256x128xf32, #tpu.memory_space<vmem>> -> memref<16x128xf32, #tpu.memory_space<vmem>>
      %dma_start3A_338 = arith.constant 0 : i32
      %dma_start3A_339 = tpu.memref_slice %arg3[%dma_start3A_338, %multiple_of3A_326] : memref<16x1000000xf32, #tpu.memory_space<hbm>> -> memref<16x128xf32, #tpu.memory_space<hbm>>
      tpu.enqueue_dma source(%dma_start3A_339 : memref<16x128xf32, #tpu.memory_space<hbm>>) target(%dma_start3A_337 : memref<16x128xf32, #tpu.memory_space<vmem>>) target_semaphore(%arg14 : memref<!tpu.dma_semaphore, #tpu.memory_space<semaphore_mem>>)
      %dma_start3A_340 = arith.constant 176 : i32
      %dma_start3A_341 = arith.constant 0 : i32
      %dma_start3A_342 = tpu.memref_slice %arg12[%dma_start3A_340, %dma_start3A_341] : memref<256x128xf32, #tpu.memory_space<vmem>> -> memref<16x128xf32, #tpu.memory_space<vmem>>
      %dma_start3A_343 = arith.constant 0 : i32
      %dma_start3A_344 = tpu.memref_slice %arg4[%dma_start3A_343, %multiple_of3A_329] : memref<16x1000001xf32, #tpu.memory_space<hbm>> -> memref<16x128xf32, #tpu.memory_space<hbm>>
      %dma_start3A_345 = arith.constant 176 : i32
      %dma_start3A_346 = arith.constant 0 : i32
      %dma_start3A_347 = tpu.memref_slice %arg12[%dma_start3A_345, %dma_start3A_346] : memref<256x128xf32, #tpu.memory_space<vmem>> -> memref<16x128xf32, #tpu.memory_space<vmem>>
      %dma_start3A_348 = arith.constant 0 : i32
      %dma_start3A_349 = tpu.memref_slice %arg4[%dma_start3A_348, %multiple_of3A_329] : memref<16x1000001xf32, #tpu.memory_space<hbm>> -> memref<16x128xf32, #tpu.memory_space<hbm>>
      tpu.enqueue_dma source(%dma_start3A_349 : memref<16x128xf32, #tpu.memory_space<hbm>>) target(%dma_start3A_347 : memref<16x128xf32, #tpu.memory_space<vmem>>) target_semaphore(%arg15 : memref<!tpu.dma_semaphore, #tpu.memory_space<semaphore_mem>>)
      %slice3A_350 = vector.extract_strided_slice %min3A_32 {offsets = [12], sizes = [1], strides = [1]} : vector<16xi32> to vector<1xi32>
      %squeeze3A_351 = vector.extract %slice3A_350[0] : i32 from vector<1xi32>
      %multiple_of3A_352 = tpu.assume_multiple %squeeze3A_351, 128 : i32
      %slice3A_353 = vector.extract_strided_slice %min3A_41 {offsets = [12], sizes = [1], strides = [1]} : vector<16xi32> to vector<1xi32>
      %squeeze3A_354 = vector.extract %slice3A_353[0] : i32 from vector<1xi32>
      %multiple_of3A_355 = tpu.assume_multiple %squeeze3A_354, 128 : i32
      %dma_start3A_356 = arith.constant 192 : i32
      %dma_start3A_357 = arith.constant 0 : i32
      %dma_start3A_358 = tpu.memref_slice %arg11[%dma_start3A_356, %dma_start3A_357] : memref<256x128xf32, #tpu.memory_space<vmem>> -> memref<16x128xf32, #tpu.memory_space<vmem>>
      %dma_start3A_359 = arith.constant 0 : i32
      %dma_start3A_360 = tpu.memref_slice %arg3[%dma_start3A_359, %multiple_of3A_352] : memref<16x1000000xf32, #tpu.memory_space<hbm>> -> memref<16x128xf32, #tpu.memory_space<hbm>>
      %dma_start3A_361 = arith.constant 192 : i32
      %dma_start3A_362 = arith.constant 0 : i32
      %dma_start3A_363 = tpu.memref_slice %arg11[%dma_start3A_361, %dma_start3A_362] : memref<256x128xf32, #tpu.memory_space<vmem>> -> memref<16x128xf32, #tpu.memory_space<vmem>>
      %dma_start3A_364 = arith.constant 0 : i32
      %dma_start3A_365 = tpu.memref_slice %arg3[%dma_start3A_364, %multiple_of3A_352] : memref<16x1000000xf32, #tpu.memory_space<hbm>> -> memref<16x128xf32, #tpu.memory_space<hbm>>
      tpu.enqueue_dma source(%dma_start3A_365 : memref<16x128xf32, #tpu.memory_space<hbm>>) target(%dma_start3A_363 : memref<16x128xf32, #tpu.memory_space<vmem>>) target_semaphore(%arg14 : memref<!tpu.dma_semaphore, #tpu.memory_space<semaphore_mem>>)
      %dma_start3A_366 = arith.constant 192 : i32
      %dma_start3A_367 = arith.constant 0 : i32
      %dma_start3A_368 = tpu.memref_slice %arg12[%dma_start3A_366, %dma_start3A_367] : memref<256x128xf32, #tpu.memory_space<vmem>> -> memref<16x128xf32, #tpu.memory_space<vmem>>
      %dma_start3A_369 = arith.constant 0 : i32
      %dma_start3A_370 = tpu.memref_slice %arg4[%dma_start3A_369, %multiple_of3A_355] : memref<16x1000001xf32, #tpu.memory_space<hbm>> -> memref<16x128xf32, #tpu.memory_space<hbm>>
      %dma_start3A_371 = arith.constant 192 : i32
      %dma_start3A_372 = arith.constant 0 : i32
      %dma_start3A_373 = tpu.memref_slice %arg12[%dma_start3A_371, %dma_start3A_372] : memref<256x128xf32, #tpu.memory_space<vmem>> -> memref<16x128xf32, #tpu.memory_space<vmem>>
      %dma_start3A_374 = arith.constant 0 : i32
      %dma_start3A_375 = tpu.memref_slice %arg4[%dma_start3A_374, %multiple_of3A_355] : memref<16x1000001xf32, #tpu.memory_space<hbm>> -> memref<16x128xf32, #tpu.memory_space<hbm>>
      tpu.enqueue_dma source(%dma_start3A_375 : memref<16x128xf32, #tpu.memory_space<hbm>>) target(%dma_start3A_373 : memref<16x128xf32, #tpu.memory_space<vmem>>) target_semaphore(%arg15 : memref<!tpu.dma_semaphore, #tpu.memory_space<semaphore_mem>>)
      %slice3A_376 = vector.extract_strided_slice %min3A_32 {offsets = [13], sizes = [1], strides = [1]} : vector<16xi32> to vector<1xi32>
      %squeeze3A_377 = vector.extract %slice3A_376[0] : i32 from vector<1xi32>
      %multiple_of3A_378 = tpu.assume_multiple %squeeze3A_377, 128 : i32
      %slice3A_379 = vector.extract_strided_slice %min3A_41 {offsets = [13], sizes = [1], strides = [1]} : vector<16xi32> to vector<1xi32>
      %squeeze3A_380 = vector.extract %slice3A_379[0] : i32 from vector<1xi32>
      %multiple_of3A_381 = tpu.assume_multiple %squeeze3A_380, 128 : i32
      %dma_start3A_382 = arith.constant 208 : i32
      %dma_start3A_383 = arith.constant 0 : i32
      %dma_start3A_384 = tpu.memref_slice %arg11[%dma_start3A_382, %dma_start3A_383] : memref<256x128xf32, #tpu.memory_space<vmem>> -> memref<16x128xf32, #tpu.memory_space<vmem>>
      %dma_start3A_385 = arith.constant 0 : i32
      %dma_start3A_386 = tpu.memref_slice %arg3[%dma_start3A_385, %multiple_of3A_378] : memref<16x1000000xf32, #tpu.memory_space<hbm>> -> memref<16x128xf32, #tpu.memory_space<hbm>>
      %dma_start3A_387 = arith.constant 208 : i32
      %dma_start3A_388 = arith.constant 0 : i32
      %dma_start3A_389 = tpu.memref_slice %arg11[%dma_start3A_387, %dma_start3A_388] : memref<256x128xf32, #tpu.memory_space<vmem>> -> memref<16x128xf32, #tpu.memory_space<vmem>>
      %dma_start3A_390 = arith.constant 0 : i32
      %dma_start3A_391 = tpu.memref_slice %arg3[%dma_start3A_390, %multiple_of3A_378] : memref<16x1000000xf32, #tpu.memory_space<hbm>> -> memref<16x128xf32, #tpu.memory_space<hbm>>
      tpu.enqueue_dma source(%dma_start3A_391 : memref<16x128xf32, #tpu.memory_space<hbm>>) target(%dma_start3A_389 : memref<16x128xf32, #tpu.memory_space<vmem>>) target_semaphore(%arg14 : memref<!tpu.dma_semaphore, #tpu.memory_space<semaphore_mem>>)
      %dma_start3A_392 = arith.constant 208 : i32
      %dma_start3A_393 = arith.constant 0 : i32
      %dma_start3A_394 = tpu.memref_slice %arg12[%dma_start3A_392, %dma_start3A_393] : memref<256x128xf32, #tpu.memory_space<vmem>> -> memref<16x128xf32, #tpu.memory_space<vmem>>
      %dma_start3A_395 = arith.constant 0 : i32
      %dma_start3A_396 = tpu.memref_slice %arg4[%dma_start3A_395, %multiple_of3A_381] : memref<16x1000001xf32, #tpu.memory_space<hbm>> -> memref<16x128xf32, #tpu.memory_space<hbm>>
      %dma_start3A_397 = arith.constant 208 : i32
      %dma_start3A_398 = arith.constant 0 : i32
      %dma_start3A_399 = tpu.memref_slice %arg12[%dma_start3A_397, %dma_start3A_398] : memref<256x128xf32, #tpu.memory_space<vmem>> -> memref<16x128xf32, #tpu.memory_space<vmem>>
      %dma_start3A_400 = arith.constant 0 : i32
      %dma_start3A_401 = tpu.memref_slice %arg4[%dma_start3A_400, %multiple_of3A_381] : memref<16x1000001xf32, #tpu.memory_space<hbm>> -> memref<16x128xf32, #tpu.memory_space<hbm>>
      tpu.enqueue_dma source(%dma_start3A_401 : memref<16x128xf32, #tpu.memory_space<hbm>>) target(%dma_start3A_399 : memref<16x128xf32, #tpu.memory_space<vmem>>) target_semaphore(%arg15 : memref<!tpu.dma_semaphore, #tpu.memory_space<semaphore_mem>>)
      %slice3A_402 = vector.extract_strided_slice %min3A_32 {offsets = [14], sizes = [1], strides = [1]} : vector<16xi32> to vector<1xi32>
      %squeeze3A_403 = vector.extract %slice3A_402[0] : i32 from vector<1xi32>
      %multiple_of3A_404 = tpu.assume_multiple %squeeze3A_403, 128 : i32
      %slice3A_405 = vector.extract_strided_slice %min3A_41 {offsets = [14], sizes = [1], strides = [1]} : vector<16xi32> to vector<1xi32>
      %squeeze3A_406 = vector.extract %slice3A_405[0] : i32 from vector<1xi32>
      %multiple_of3A_407 = tpu.assume_multiple %squeeze3A_406, 128 : i32
      %dma_start3A_408 = arith.constant 224 : i32
      %dma_start3A_409 = arith.constant 0 : i32
      %dma_start3A_410 = tpu.memref_slice %arg11[%dma_start3A_408, %dma_start3A_409] : memref<256x128xf32, #tpu.memory_space<vmem>> -> memref<16x128xf32, #tpu.memory_space<vmem>>
      %dma_start3A_411 = arith.constant 0 : i32
      %dma_start3A_412 = tpu.memref_slice %arg3[%dma_start3A_411, %multiple_of3A_404] : memref<16x1000000xf32, #tpu.memory_space<hbm>> -> memref<16x128xf32, #tpu.memory_space<hbm>>
      %dma_start3A_413 = arith.constant 224 : i32
      %dma_start3A_414 = arith.constant 0 : i32
      %dma_start3A_415 = tpu.memref_slice %arg11[%dma_start3A_413, %dma_start3A_414] : memref<256x128xf32, #tpu.memory_space<vmem>> -> memref<16x128xf32, #tpu.memory_space<vmem>>
      %dma_start3A_416 = arith.constant 0 : i32
      %dma_start3A_417 = tpu.memref_slice %arg3[%dma_start3A_416, %multiple_of3A_404] : memref<16x1000000xf32, #tpu.memory_space<hbm>> -> memref<16x128xf32, #tpu.memory_space<hbm>>
      tpu.enqueue_dma source(%dma_start3A_417 : memref<16x128xf32, #tpu.memory_space<hbm>>) target(%dma_start3A_415 : memref<16x128xf32, #tpu.memory_space<vmem>>) target_semaphore(%arg14 : memref<!tpu.dma_semaphore, #tpu.memory_space<semaphore_mem>>)
      %dma_start3A_418 = arith.constant 224 : i32
      %dma_start3A_419 = arith.constant 0 : i32
      %dma_start3A_420 = tpu.memref_slice %arg12[%dma_start3A_418, %dma_start3A_419] : memref<256x128xf32, #tpu.memory_space<vmem>> -> memref<16x128xf32, #tpu.memory_space<vmem>>
      %dma_start3A_421 = arith.constant 0 : i32
      %dma_start3A_422 = tpu.memref_slice %arg4[%dma_start3A_421, %multiple_of3A_407] : memref<16x1000001xf32, #tpu.memory_space<hbm>> -> memref<16x128xf32, #tpu.memory_space<hbm>>
      %dma_start3A_423 = arith.constant 224 : i32
      %dma_start3A_424 = arith.constant 0 : i32
      %dma_start3A_425 = tpu.memref_slice %arg12[%dma_start3A_423, %dma_start3A_424] : memref<256x128xf32, #tpu.memory_space<vmem>> -> memref<16x128xf32, #tpu.memory_space<vmem>>
      %dma_start3A_426 = arith.constant 0 : i32
      %dma_start3A_427 = tpu.memref_slice %arg4[%dma_start3A_426, %multiple_of3A_407] : memref<16x1000001xf32, #tpu.memory_space<hbm>> -> memref<16x128xf32, #tpu.memory_space<hbm>>
      tpu.enqueue_dma source(%dma_start3A_427 : memref<16x128xf32, #tpu.memory_space<hbm>>) target(%dma_start3A_425 : memref<16x128xf32, #tpu.memory_space<vmem>>) target_semaphore(%arg15 : memref<!tpu.dma_semaphore, #tpu.memory_space<semaphore_mem>>)
      %slice3A_428 = vector.extract_strided_slice %min3A_32 {offsets = [15], sizes = [1], strides = [1]} : vector<16xi32> to vector<1xi32>
      %squeeze3A_429 = vector.extract %slice3A_428[0] : i32 from vector<1xi32>
      %multiple_of3A_430 = tpu.assume_multiple %squeeze3A_429, 128 : i32
      %slice3A_431 = vector.extract_strided_slice %min3A_41 {offsets = [15], sizes = [1], strides = [1]} : vector<16xi32> to vector<1xi32>
      %squeeze3A_432 = vector.extract %slice3A_431[0] : i32 from vector<1xi32>
      %multiple_of3A_433 = tpu.assume_multiple %squeeze3A_432, 128 : i32
      %dma_start3A_434 = arith.constant 240 : i32
      %dma_start3A_435 = arith.constant 0 : i32
      %dma_start3A_436 = tpu.memref_slice %arg11[%dma_start3A_434, %dma_start3A_435] : memref<256x128xf32, #tpu.memory_space<vmem>> -> memref<16x128xf32, #tpu.memory_space<vmem>>
      %dma_start3A_437 = arith.constant 0 : i32
      %dma_start3A_438 = tpu.memref_slice %arg3[%dma_start3A_437, %multiple_of3A_430] : memref<16x1000000xf32, #tpu.memory_space<hbm>> -> memref<16x128xf32, #tpu.memory_space<hbm>>
      %dma_start3A_439 = arith.constant 240 : i32
      %dma_start3A_440 = arith.constant 0 : i32
      %dma_start3A_441 = tpu.memref_slice %arg11[%dma_start3A_439, %dma_start3A_440] : memref<256x128xf32, #tpu.memory_space<vmem>> -> memref<16x128xf32, #tpu.memory_space<vmem>>
      %dma_start3A_442 = arith.constant 0 : i32
      %dma_start3A_443 = tpu.memref_slice %arg3[%dma_start3A_442, %multiple_of3A_430] : memref<16x1000000xf32, #tpu.memory_space<hbm>> -> memref<16x128xf32, #tpu.memory_space<hbm>>
      tpu.enqueue_dma source(%dma_start3A_443 : memref<16x128xf32, #tpu.memory_space<hbm>>) target(%dma_start3A_441 : memref<16x128xf32, #tpu.memory_space<vmem>>) target_semaphore(%arg14 : memref<!tpu.dma_semaphore, #tpu.memory_space<semaphore_mem>>)
      %dma_start3A_444 = arith.constant 240 : i32
      %dma_start3A_445 = arith.constant 0 : i32
      %dma_start3A_446 = tpu.memref_slice %arg12[%dma_start3A_444, %dma_start3A_445] : memref<256x128xf32, #tpu.memory_space<vmem>> -> memref<16x128xf32, #tpu.memory_space<vmem>>
      %dma_start3A_447 = arith.constant 0 : i32
      %dma_start3A_448 = tpu.memref_slice %arg4[%dma_start3A_447, %multiple_of3A_433] : memref<16x1000001xf32, #tpu.memory_space<hbm>> -> memref<16x128xf32, #tpu.memory_space<hbm>>
      %dma_start3A_449 = arith.constant 240 : i32
      %dma_start3A_450 = arith.constant 0 : i32
      %dma_start3A_451 = tpu.memref_slice %arg12[%dma_start3A_449, %dma_start3A_450] : memref<256x128xf32, #tpu.memory_space<vmem>> -> memref<16x128xf32, #tpu.memory_space<vmem>>
      %dma_start3A_452 = arith.constant 0 : i32
      %dma_start3A_453 = tpu.memref_slice %arg4[%dma_start3A_452, %multiple_of3A_433] : memref<16x1000001xf32, #tpu.memory_space<hbm>> -> memref<16x128xf32, #tpu.memory_space<hbm>>
      tpu.enqueue_dma source(%dma_start3A_453 : memref<16x128xf32, #tpu.memory_space<hbm>>) target(%dma_start3A_451 : memref<16x128xf32, #tpu.memory_space<vmem>>) target_semaphore(%arg15 : memref<!tpu.dma_semaphore, #tpu.memory_space<semaphore_mem>>)
      %dma_wait3A = arith.constant 0 : i32
      %dma_wait3A_454 = arith.constant 0 : i32
      %dma_wait3A_455 = tpu.memref_slice %arg11[%dma_wait3A, %dma_wait3A_454] : memref<256x128xf32, #tpu.memory_space<vmem>> -> memref<16x128xf32, #tpu.memory_space<vmem>>
      %dma_wait3A_456 = arith.constant 0 : i32
      %dma_wait3A_457 = tpu.memref_slice %arg3[%dma_wait3A_456, %multiple_of3A] : memref<16x1000000xf32, #tpu.memory_space<hbm>> -> memref<16x128xf32, #tpu.memory_space<hbm>>
      %dma_wait3A_458 = arith.constant 0 : i32
      %dma_wait3A_459 = arith.constant 0 : i32
      %dma_wait3A_460 = tpu.memref_slice %arg11[%dma_wait3A_458, %dma_wait3A_459] : memref<256x128xf32, #tpu.memory_space<vmem>> -> memref<16x128xf32, #tpu.memory_space<vmem>>
      %dma_wait3A_461 = arith.constant 0 : i32
      %dma_wait3A_462 = tpu.memref_slice %arg3[%dma_wait3A_461, %multiple_of3A] : memref<16x1000000xf32, #tpu.memory_space<hbm>> -> memref<16x128xf32, #tpu.memory_space<hbm>>
      tpu.wait_dma2 semaphore(%arg14 : memref<!tpu.dma_semaphore, #tpu.memory_space<semaphore_mem>>) src(%dma_wait3A_462 : memref<16x128xf32, #tpu.memory_space<hbm>>) dst(%dma_wait3A_460 : memref<16x128xf32, #tpu.memory_space<vmem>>)
      %dma_wait3A_463 = arith.constant 0 : i32
      %dma_wait3A_464 = arith.constant 0 : i32
      %dma_wait3A_465 = tpu.memref_slice %arg12[%dma_wait3A_463, %dma_wait3A_464] : memref<256x128xf32, #tpu.memory_space<vmem>> -> memref<16x128xf32, #tpu.memory_space<vmem>>
      %dma_wait3A_466 = arith.constant 0 : i32
      %dma_wait3A_467 = tpu.memref_slice %arg4[%dma_wait3A_466, %multiple_of3A_44] : memref<16x1000001xf32, #tpu.memory_space<hbm>> -> memref<16x128xf32, #tpu.memory_space<hbm>>
      %dma_wait3A_468 = arith.constant 0 : i32
      %dma_wait3A_469 = arith.constant 0 : i32
      %dma_wait3A_470 = tpu.memref_slice %arg12[%dma_wait3A_468, %dma_wait3A_469] : memref<256x128xf32, #tpu.memory_space<vmem>> -> memref<16x128xf32, #tpu.memory_space<vmem>>
      %dma_wait3A_471 = arith.constant 0 : i32
      %dma_wait3A_472 = tpu.memref_slice %arg4[%dma_wait3A_471, %multiple_of3A_44] : memref<16x1000001xf32, #tpu.memory_space<hbm>> -> memref<16x128xf32, #tpu.memory_space<hbm>>
      tpu.wait_dma2 semaphore(%arg15 : memref<!tpu.dma_semaphore, #tpu.memory_space<semaphore_mem>>) src(%dma_wait3A_472 : memref<16x128xf32, #tpu.memory_space<hbm>>) dst(%dma_wait3A_470 : memref<16x128xf32, #tpu.memory_space<vmem>>)
      %dma_wait3A_473 = arith.constant 16 : i32
      %dma_wait3A_474 = arith.constant 0 : i32
      %dma_wait3A_475 = tpu.memref_slice %arg11[%dma_wait3A_473, %dma_wait3A_474] : memref<256x128xf32, #tpu.memory_space<vmem>> -> memref<16x128xf32, #tpu.memory_space<vmem>>
      %dma_wait3A_476 = arith.constant 0 : i32
      %dma_wait3A_477 = tpu.memref_slice %arg3[%dma_wait3A_476, %multiple_of3A_66] : memref<16x1000000xf32, #tpu.memory_space<hbm>> -> memref<16x128xf32, #tpu.memory_space<hbm>>
      %dma_wait3A_478 = arith.constant 16 : i32
      %dma_wait3A_479 = arith.constant 0 : i32
      %dma_wait3A_480 = tpu.memref_slice %arg11[%dma_wait3A_478, %dma_wait3A_479] : memref<256x128xf32, #tpu.memory_space<vmem>> -> memref<16x128xf32, #tpu.memory_space<vmem>>
      %dma_wait3A_481 = arith.constant 0 : i32
      %dma_wait3A_482 = tpu.memref_slice %arg3[%dma_wait3A_481, %multiple_of3A_66] : memref<16x1000000xf32, #tpu.memory_space<hbm>> -> memref<16x128xf32, #tpu.memory_space<hbm>>
      tpu.wait_dma2 semaphore(%arg14 : memref<!tpu.dma_semaphore, #tpu.memory_space<semaphore_mem>>) src(%dma_wait3A_482 : memref<16x128xf32, #tpu.memory_space<hbm>>) dst(%dma_wait3A_480 : memref<16x128xf32, #tpu.memory_space<vmem>>)
      %dma_wait3A_483 = arith.constant 16 : i32
      %dma_wait3A_484 = arith.constant 0 : i32
      %dma_wait3A_485 = tpu.memref_slice %arg12[%dma_wait3A_483, %dma_wait3A_484] : memref<256x128xf32, #tpu.memory_space<vmem>> -> memref<16x128xf32, #tpu.memory_space<vmem>>
      %dma_wait3A_486 = arith.constant 0 : i32
      %dma_wait3A_487 = tpu.memref_slice %arg4[%dma_wait3A_486, %multiple_of3A_69] : memref<16x1000001xf32, #tpu.memory_space<hbm>> -> memref<16x128xf32, #tpu.memory_space<hbm>>
      %dma_wait3A_488 = arith.constant 16 : i32
      %dma_wait3A_489 = arith.constant 0 : i32
      %dma_wait3A_490 = tpu.memref_slice %arg12[%dma_wait3A_488, %dma_wait3A_489] : memref<256x128xf32, #tpu.memory_space<vmem>> -> memref<16x128xf32, #tpu.memory_space<vmem>>
      %dma_wait3A_491 = arith.constant 0 : i32
      %dma_wait3A_492 = tpu.memref_slice %arg4[%dma_wait3A_491, %multiple_of3A_69] : memref<16x1000001xf32, #tpu.memory_space<hbm>> -> memref<16x128xf32, #tpu.memory_space<hbm>>
      tpu.wait_dma2 semaphore(%arg15 : memref<!tpu.dma_semaphore, #tpu.memory_space<semaphore_mem>>) src(%dma_wait3A_492 : memref<16x128xf32, #tpu.memory_space<hbm>>) dst(%dma_wait3A_490 : memref<16x128xf32, #tpu.memory_space<vmem>>)
      %dma_wait3A_493 = arith.constant 32 : i32
      %dma_wait3A_494 = arith.constant 0 : i32
      %dma_wait3A_495 = tpu.memref_slice %arg11[%dma_wait3A_493, %dma_wait3A_494] : memref<256x128xf32, #tpu.memory_space<vmem>> -> memref<16x128xf32, #tpu.memory_space<vmem>>
      %dma_wait3A_496 = arith.constant 0 : i32
      %dma_wait3A_497 = tpu.memref_slice %arg3[%dma_wait3A_496, %multiple_of3A_92] : memref<16x1000000xf32, #tpu.memory_space<hbm>> -> memref<16x128xf32, #tpu.memory_space<hbm>>
      %dma_wait3A_498 = arith.constant 32 : i32
      %dma_wait3A_499 = arith.constant 0 : i32
      %dma_wait3A_500 = tpu.memref_slice %arg11[%dma_wait3A_498, %dma_wait3A_499] : memref<256x128xf32, #tpu.memory_space<vmem>> -> memref<16x128xf32, #tpu.memory_space<vmem>>
      %dma_wait3A_501 = arith.constant 0 : i32
      %dma_wait3A_502 = tpu.memref_slice %arg3[%dma_wait3A_501, %multiple_of3A_92] : memref<16x1000000xf32, #tpu.memory_space<hbm>> -> memref<16x128xf32, #tpu.memory_space<hbm>>
      tpu.wait_dma2 semaphore(%arg14 : memref<!tpu.dma_semaphore, #tpu.memory_space<semaphore_mem>>) src(%dma_wait3A_502 : memref<16x128xf32, #tpu.memory_space<hbm>>) dst(%dma_wait3A_500 : memref<16x128xf32, #tpu.memory_space<vmem>>)
      %dma_wait3A_503 = arith.constant 32 : i32
      %dma_wait3A_504 = arith.constant 0 : i32
      %dma_wait3A_505 = tpu.memref_slice %arg12[%dma_wait3A_503, %dma_wait3A_504] : memref<256x128xf32, #tpu.memory_space<vmem>> -> memref<16x128xf32, #tpu.memory_space<vmem>>
      %dma_wait3A_506 = arith.constant 0 : i32
      %dma_wait3A_507 = tpu.memref_slice %arg4[%dma_wait3A_506, %multiple_of3A_95] : memref<16x1000001xf32, #tpu.memory_space<hbm>> -> memref<16x128xf32, #tpu.memory_space<hbm>>
      %dma_wait3A_508 = arith.constant 32 : i32
      %dma_wait3A_509 = arith.constant 0 : i32
      %dma_wait3A_510 = tpu.memref_slice %arg12[%dma_wait3A_508, %dma_wait3A_509] : memref<256x128xf32, #tpu.memory_space<vmem>> -> memref<16x128xf32, #tpu.memory_space<vmem>>
      %dma_wait3A_511 = arith.constant 0 : i32
      %dma_wait3A_512 = tpu.memref_slice %arg4[%dma_wait3A_511, %multiple_of3A_95] : memref<16x1000001xf32, #tpu.memory_space<hbm>> -> memref<16x128xf32, #tpu.memory_space<hbm>>
      tpu.wait_dma2 semaphore(%arg15 : memref<!tpu.dma_semaphore, #tpu.memory_space<semaphore_mem>>) src(%dma_wait3A_512 : memref<16x128xf32, #tpu.memory_space<hbm>>) dst(%dma_wait3A_510 : memref<16x128xf32, #tpu.memory_space<vmem>>)
      %dma_wait3A_513 = arith.constant 48 : i32
      %dma_wait3A_514 = arith.constant 0 : i32
      %dma_wait3A_515 = tpu.memref_slice %arg11[%dma_wait3A_513, %dma_wait3A_514] : memref<256x128xf32, #tpu.memory_space<vmem>> -> memref<16x128xf32, #tpu.memory_space<vmem>>
      %dma_wait3A_516 = arith.constant 0 : i32
      %dma_wait3A_517 = tpu.memref_slice %arg3[%dma_wait3A_516, %multiple_of3A_118] : memref<16x1000000xf32, #tpu.memory_space<hbm>> -> memref<16x128xf32, #tpu.memory_space<hbm>>
      %dma_wait3A_518 = arith.constant 48 : i32
      %dma_wait3A_519 = arith.constant 0 : i32
      %dma_wait3A_520 = tpu.memref_slice %arg11[%dma_wait3A_518, %dma_wait3A_519] : memref<256x128xf32, #tpu.memory_space<vmem>> -> memref<16x128xf32, #tpu.memory_space<vmem>>
      %dma_wait3A_521 = arith.constant 0 : i32
      %dma_wait3A_522 = tpu.memref_slice %arg3[%dma_wait3A_521, %multiple_of3A_118] : memref<16x1000000xf32, #tpu.memory_space<hbm>> -> memref<16x128xf32, #tpu.memory_space<hbm>>
      tpu.wait_dma2 semaphore(%arg14 : memref<!tpu.dma_semaphore, #tpu.memory_space<semaphore_mem>>) src(%dma_wait3A_522 : memref<16x128xf32, #tpu.memory_space<hbm>>) dst(%dma_wait3A_520 : memref<16x128xf32, #tpu.memory_space<vmem>>)
      %dma_wait3A_523 = arith.constant 48 : i32
      %dma_wait3A_524 = arith.constant 0 : i32
      %dma_wait3A_525 = tpu.memref_slice %arg12[%dma_wait3A_523, %dma_wait3A_524] : memref<256x128xf32, #tpu.memory_space<vmem>> -> memref<16x128xf32, #tpu.memory_space<vmem>>
      %dma_wait3A_526 = arith.constant 0 : i32
      %dma_wait3A_527 = tpu.memref_slice %arg4[%dma_wait3A_526, %multiple_of3A_121] : memref<16x1000001xf32, #tpu.memory_space<hbm>> -> memref<16x128xf32, #tpu.memory_space<hbm>>
      %dma_wait3A_528 = arith.constant 48 : i32
      %dma_wait3A_529 = arith.constant 0 : i32
      %dma_wait3A_530 = tpu.memref_slice %arg12[%dma_wait3A_528, %dma_wait3A_529] : memref<256x128xf32, #tpu.memory_space<vmem>> -> memref<16x128xf32, #tpu.memory_space<vmem>>
      %dma_wait3A_531 = arith.constant 0 : i32
      %dma_wait3A_532 = tpu.memref_slice %arg4[%dma_wait3A_531, %multiple_of3A_121] : memref<16x1000001xf32, #tpu.memory_space<hbm>> -> memref<16x128xf32, #tpu.memory_space<hbm>>
      tpu.wait_dma2 semaphore(%arg15 : memref<!tpu.dma_semaphore, #tpu.memory_space<semaphore_mem>>) src(%dma_wait3A_532 : memref<16x128xf32, #tpu.memory_space<hbm>>) dst(%dma_wait3A_530 : memref<16x128xf32, #tpu.memory_space<vmem>>)
      %dma_wait3A_533 = arith.constant 64 : i32
      %dma_wait3A_534 = arith.constant 0 : i32
      %dma_wait3A_535 = tpu.memref_slice %arg11[%dma_wait3A_533, %dma_wait3A_534] : memref<256x128xf32, #tpu.memory_space<vmem>> -> memref<16x128xf32, #tpu.memory_space<vmem>>
      %dma_wait3A_536 = arith.constant 0 : i32
      %dma_wait3A_537 = tpu.memref_slice %arg3[%dma_wait3A_536, %multiple_of3A_144] : memref<16x1000000xf32, #tpu.memory_space<hbm>> -> memref<16x128xf32, #tpu.memory_space<hbm>>
      %dma_wait3A_538 = arith.constant 64 : i32
      %dma_wait3A_539 = arith.constant 0 : i32
      %dma_wait3A_540 = tpu.memref_slice %arg11[%dma_wait3A_538, %dma_wait3A_539] : memref<256x128xf32, #tpu.memory_space<vmem>> -> memref<16x128xf32, #tpu.memory_space<vmem>>
      %dma_wait3A_541 = arith.constant 0 : i32
      %dma_wait3A_542 = tpu.memref_slice %arg3[%dma_wait3A_541, %multiple_of3A_144] : memref<16x1000000xf32, #tpu.memory_space<hbm>> -> memref<16x128xf32, #tpu.memory_space<hbm>>
      tpu.wait_dma2 semaphore(%arg14 : memref<!tpu.dma_semaphore, #tpu.memory_space<semaphore_mem>>) src(%dma_wait3A_542 : memref<16x128xf32, #tpu.memory_space<hbm>>) dst(%dma_wait3A_540 : memref<16x128xf32, #tpu.memory_space<vmem>>)
      %dma_wait3A_543 = arith.constant 64 : i32
      %dma_wait3A_544 = arith.constant 0 : i32
      %dma_wait3A_545 = tpu.memref_slice %arg12[%dma_wait3A_543, %dma_wait3A_544] : memref<256x128xf32, #tpu.memory_space<vmem>> -> memref<16x128xf32, #tpu.memory_space<vmem>>
      %dma_wait3A_546 = arith.constant 0 : i32
      %dma_wait3A_547 = tpu.memref_slice %arg4[%dma_wait3A_546, %multiple_of3A_147] : memref<16x1000001xf32, #tpu.memory_space<hbm>> -> memref<16x128xf32, #tpu.memory_space<hbm>>
      %dma_wait3A_548 = arith.constant 64 : i32
      %dma_wait3A_549 = arith.constant 0 : i32
      %dma_wait3A_550 = tpu.memref_slice %arg12[%dma_wait3A_548, %dma_wait3A_549] : memref<256x128xf32, #tpu.memory_space<vmem>> -> memref<16x128xf32, #tpu.memory_space<vmem>>
      %dma_wait3A_551 = arith.constant 0 : i32
      %dma_wait3A_552 = tpu.memref_slice %arg4[%dma_wait3A_551, %multiple_of3A_147] : memref<16x1000001xf32, #tpu.memory_space<hbm>> -> memref<16x128xf32, #tpu.memory_space<hbm>>
      tpu.wait_dma2 semaphore(%arg15 : memref<!tpu.dma_semaphore, #tpu.memory_space<semaphore_mem>>) src(%dma_wait3A_552 : memref<16x128xf32, #tpu.memory_space<hbm>>) dst(%dma_wait3A_550 : memref<16x128xf32, #tpu.memory_space<vmem>>)
      %dma_wait3A_553 = arith.constant 80 : i32
      %dma_wait3A_554 = arith.constant 0 : i32
      %dma_wait3A_555 = tpu.memref_slice %arg11[%dma_wait3A_553, %dma_wait3A_554] : memref<256x128xf32, #tpu.memory_space<vmem>> -> memref<16x128xf32, #tpu.memory_space<vmem>>
      %dma_wait3A_556 = arith.constant 0 : i32
      %dma_wait3A_557 = tpu.memref_slice %arg3[%dma_wait3A_556, %multiple_of3A_170] : memref<16x1000000xf32, #tpu.memory_space<hbm>> -> memref<16x128xf32, #tpu.memory_space<hbm>>
      %dma_wait3A_558 = arith.constant 80 : i32
      %dma_wait3A_559 = arith.constant 0 : i32
      %dma_wait3A_560 = tpu.memref_slice %arg11[%dma_wait3A_558, %dma_wait3A_559] : memref<256x128xf32, #tpu.memory_space<vmem>> -> memref<16x128xf32, #tpu.memory_space<vmem>>
      %dma_wait3A_561 = arith.constant 0 : i32
      %dma_wait3A_562 = tpu.memref_slice %arg3[%dma_wait3A_561, %multiple_of3A_170] : memref<16x1000000xf32, #tpu.memory_space<hbm>> -> memref<16x128xf32, #tpu.memory_space<hbm>>
      tpu.wait_dma2 semaphore(%arg14 : memref<!tpu.dma_semaphore, #tpu.memory_space<semaphore_mem>>) src(%dma_wait3A_562 : memref<16x128xf32, #tpu.memory_space<hbm>>) dst(%dma_wait3A_560 : memref<16x128xf32, #tpu.memory_space<vmem>>)
      %dma_wait3A_563 = arith.constant 80 : i32
      %dma_wait3A_564 = arith.constant 0 : i32
      %dma_wait3A_565 = tpu.memref_slice %arg12[%dma_wait3A_563, %dma_wait3A_564] : memref<256x128xf32, #tpu.memory_space<vmem>> -> memref<16x128xf32, #tpu.memory_space<vmem>>
      %dma_wait3A_566 = arith.constant 0 : i32
      %dma_wait3A_567 = tpu.memref_slice %arg4[%dma_wait3A_566, %multiple_of3A_173] : memref<16x1000001xf32, #tpu.memory_space<hbm>> -> memref<16x128xf32, #tpu.memory_space<hbm>>
      %dma_wait3A_568 = arith.constant 80 : i32
      %dma_wait3A_569 = arith.constant 0 : i32
      %dma_wait3A_570 = tpu.memref_slice %arg12[%dma_wait3A_568, %dma_wait3A_569] : memref<256x128xf32, #tpu.memory_space<vmem>> -> memref<16x128xf32, #tpu.memory_space<vmem>>
      %dma_wait3A_571 = arith.constant 0 : i32
      %dma_wait3A_572 = tpu.memref_slice %arg4[%dma_wait3A_571, %multiple_of3A_173] : memref<16x1000001xf32, #tpu.memory_space<hbm>> -> memref<16x128xf32, #tpu.memory_space<hbm>>
      tpu.wait_dma2 semaphore(%arg15 : memref<!tpu.dma_semaphore, #tpu.memory_space<semaphore_mem>>) src(%dma_wait3A_572 : memref<16x128xf32, #tpu.memory_space<hbm>>) dst(%dma_wait3A_570 : memref<16x128xf32, #tpu.memory_space<vmem>>)
      %dma_wait3A_573 = arith.constant 96 : i32
      %dma_wait3A_574 = arith.constant 0 : i32
      %dma_wait3A_575 = tpu.memref_slice %arg11[%dma_wait3A_573, %dma_wait3A_574] : memref<256x128xf32, #tpu.memory_space<vmem>> -> memref<16x128xf32, #tpu.memory_space<vmem>>
      %dma_wait3A_576 = arith.constant 0 : i32
      %dma_wait3A_577 = tpu.memref_slice %arg3[%dma_wait3A_576, %multiple_of3A_196] : memref<16x1000000xf32, #tpu.memory_space<hbm>> -> memref<16x128xf32, #tpu.memory_space<hbm>>
      %dma_wait3A_578 = arith.constant 96 : i32
      %dma_wait3A_579 = arith.constant 0 : i32
      %dma_wait3A_580 = tpu.memref_slice %arg11[%dma_wait3A_578, %dma_wait3A_579] : memref<256x128xf32, #tpu.memory_space<vmem>> -> memref<16x128xf32, #tpu.memory_space<vmem>>
      %dma_wait3A_581 = arith.constant 0 : i32
      %dma_wait3A_582 = tpu.memref_slice %arg3[%dma_wait3A_581, %multiple_of3A_196] : memref<16x1000000xf32, #tpu.memory_space<hbm>> -> memref<16x128xf32, #tpu.memory_space<hbm>>
      tpu.wait_dma2 semaphore(%arg14 : memref<!tpu.dma_semaphore, #tpu.memory_space<semaphore_mem>>) src(%dma_wait3A_582 : memref<16x128xf32, #tpu.memory_space<hbm>>) dst(%dma_wait3A_580 : memref<16x128xf32, #tpu.memory_space<vmem>>)
      %dma_wait3A_583 = arith.constant 96 : i32
      %dma_wait3A_584 = arith.constant 0 : i32
      %dma_wait3A_585 = tpu.memref_slice %arg12[%dma_wait3A_583, %dma_wait3A_584] : memref<256x128xf32, #tpu.memory_space<vmem>> -> memref<16x128xf32, #tpu.memory_space<vmem>>
      %dma_wait3A_586 = arith.constant 0 : i32
      %dma_wait3A_587 = tpu.memref_slice %arg4[%dma_wait3A_586, %multiple_of3A_199] : memref<16x1000001xf32, #tpu.memory_space<hbm>> -> memref<16x128xf32, #tpu.memory_space<hbm>>
      %dma_wait3A_588 = arith.constant 96 : i32
      %dma_wait3A_589 = arith.constant 0 : i32
      %dma_wait3A_590 = tpu.memref_slice %arg12[%dma_wait3A_588, %dma_wait3A_589] : memref<256x128xf32, #tpu.memory_space<vmem>> -> memref<16x128xf32, #tpu.memory_space<vmem>>
      %dma_wait3A_591 = arith.constant 0 : i32
      %dma_wait3A_592 = tpu.memref_slice %arg4[%dma_wait3A_591, %multiple_of3A_199] : memref<16x1000001xf32, #tpu.memory_space<hbm>> -> memref<16x128xf32, #tpu.memory_space<hbm>>
      tpu.wait_dma2 semaphore(%arg15 : memref<!tpu.dma_semaphore, #tpu.memory_space<semaphore_mem>>) src(%dma_wait3A_592 : memref<16x128xf32, #tpu.memory_space<hbm>>) dst(%dma_wait3A_590 : memref<16x128xf32, #tpu.memory_space<vmem>>)
      %dma_wait3A_593 = arith.constant 112 : i32
      %dma_wait3A_594 = arith.constant 0 : i32
      %dma_wait3A_595 = tpu.memref_slice %arg11[%dma_wait3A_593, %dma_wait3A_594] : memref<256x128xf32, #tpu.memory_space<vmem>> -> memref<16x128xf32, #tpu.memory_space<vmem>>
      %dma_wait3A_596 = arith.constant 0 : i32
      %dma_wait3A_597 = tpu.memref_slice %arg3[%dma_wait3A_596, %multiple_of3A_222] : memref<16x1000000xf32, #tpu.memory_space<hbm>> -> memref<16x128xf32, #tpu.memory_space<hbm>>
      %dma_wait3A_598 = arith.constant 112 : i32
      %dma_wait3A_599 = arith.constant 0 : i32
      %dma_wait3A_600 = tpu.memref_slice %arg11[%dma_wait3A_598, %dma_wait3A_599] : memref<256x128xf32, #tpu.memory_space<vmem>> -> memref<16x128xf32, #tpu.memory_space<vmem>>
      %dma_wait3A_601 = arith.constant 0 : i32
      %dma_wait3A_602 = tpu.memref_slice %arg3[%dma_wait3A_601, %multiple_of3A_222] : memref<16x1000000xf32, #tpu.memory_space<hbm>> -> memref<16x128xf32, #tpu.memory_space<hbm>>
      tpu.wait_dma2 semaphore(%arg14 : memref<!tpu.dma_semaphore, #tpu.memory_space<semaphore_mem>>) src(%dma_wait3A_602 : memref<16x128xf32, #tpu.memory_space<hbm>>) dst(%dma_wait3A_600 : memref<16x128xf32, #tpu.memory_space<vmem>>)
      %dma_wait3A_603 = arith.constant 112 : i32
      %dma_wait3A_604 = arith.constant 0 : i32
      %dma_wait3A_605 = tpu.memref_slice %arg12[%dma_wait3A_603, %dma_wait3A_604] : memref<256x128xf32, #tpu.memory_space<vmem>> -> memref<16x128xf32, #tpu.memory_space<vmem>>
      %dma_wait3A_606 = arith.constant 0 : i32
      %dma_wait3A_607 = tpu.memref_slice %arg4[%dma_wait3A_606, %multiple_of3A_225] : memref<16x1000001xf32, #tpu.memory_space<hbm>> -> memref<16x128xf32, #tpu.memory_space<hbm>>
      %dma_wait3A_608 = arith.constant 112 : i32
      %dma_wait3A_609 = arith.constant 0 : i32
      %dma_wait3A_610 = tpu.memref_slice %arg12[%dma_wait3A_608, %dma_wait3A_609] : memref<256x128xf32, #tpu.memory_space<vmem>> -> memref<16x128xf32, #tpu.memory_space<vmem>>
      %dma_wait3A_611 = arith.constant 0 : i32
      %dma_wait3A_612 = tpu.memref_slice %arg4[%dma_wait3A_611, %multiple_of3A_225] : memref<16x1000001xf32, #tpu.memory_space<hbm>> -> memref<16x128xf32, #tpu.memory_space<hbm>>
      tpu.wait_dma2 semaphore(%arg15 : memref<!tpu.dma_semaphore, #tpu.memory_space<semaphore_mem>>) src(%dma_wait3A_612 : memref<16x128xf32, #tpu.memory_space<hbm>>) dst(%dma_wait3A_610 : memref<16x128xf32, #tpu.memory_space<vmem>>)
      %dma_wait3A_613 = arith.constant 128 : i32
      %dma_wait3A_614 = arith.constant 0 : i32
      %dma_wait3A_615 = tpu.memref_slice %arg11[%dma_wait3A_613, %dma_wait3A_614] : memref<256x128xf32, #tpu.memory_space<vmem>> -> memref<16x128xf32, #tpu.memory_space<vmem>>
      %dma_wait3A_616 = arith.constant 0 : i32
      %dma_wait3A_617 = tpu.memref_slice %arg3[%dma_wait3A_616, %multiple_of3A_248] : memref<16x1000000xf32, #tpu.memory_space<hbm>> -> memref<16x128xf32, #tpu.memory_space<hbm>>
      %dma_wait3A_618 = arith.constant 128 : i32
      %dma_wait3A_619 = arith.constant 0 : i32
      %dma_wait3A_620 = tpu.memref_slice %arg11[%dma_wait3A_618, %dma_wait3A_619] : memref<256x128xf32, #tpu.memory_space<vmem>> -> memref<16x128xf32, #tpu.memory_space<vmem>>
      %dma_wait3A_621 = arith.constant 0 : i32
      %dma_wait3A_622 = tpu.memref_slice %arg3[%dma_wait3A_621, %multiple_of3A_248] : memref<16x1000000xf32, #tpu.memory_space<hbm>> -> memref<16x128xf32, #tpu.memory_space<hbm>>
      tpu.wait_dma2 semaphore(%arg14 : memref<!tpu.dma_semaphore, #tpu.memory_space<semaphore_mem>>) src(%dma_wait3A_622 : memref<16x128xf32, #tpu.memory_space<hbm>>) dst(%dma_wait3A_620 : memref<16x128xf32, #tpu.memory_space<vmem>>)
      %dma_wait3A_623 = arith.constant 128 : i32
      %dma_wait3A_624 = arith.constant 0 : i32
      %dma_wait3A_625 = tpu.memref_slice %arg12[%dma_wait3A_623, %dma_wait3A_624] : memref<256x128xf32, #tpu.memory_space<vmem>> -> memref<16x128xf32, #tpu.memory_space<vmem>>
      %dma_wait3A_626 = arith.constant 0 : i32
      %dma_wait3A_627 = tpu.memref_slice %arg4[%dma_wait3A_626, %multiple_of3A_251] : memref<16x1000001xf32, #tpu.memory_space<hbm>> -> memref<16x128xf32, #tpu.memory_space<hbm>>
      %dma_wait3A_628 = arith.constant 128 : i32
      %dma_wait3A_629 = arith.constant 0 : i32
      %dma_wait3A_630 = tpu.memref_slice %arg12[%dma_wait3A_628, %dma_wait3A_629] : memref<256x128xf32, #tpu.memory_space<vmem>> -> memref<16x128xf32, #tpu.memory_space<vmem>>
      %dma_wait3A_631 = arith.constant 0 : i32
      %dma_wait3A_632 = tpu.memref_slice %arg4[%dma_wait3A_631, %multiple_of3A_251] : memref<16x1000001xf32, #tpu.memory_space<hbm>> -> memref<16x128xf32, #tpu.memory_space<hbm>>
      tpu.wait_dma2 semaphore(%arg15 : memref<!tpu.dma_semaphore, #tpu.memory_space<semaphore_mem>>) src(%dma_wait3A_632 : memref<16x128xf32, #tpu.memory_space<hbm>>) dst(%dma_wait3A_630 : memref<16x128xf32, #tpu.memory_space<vmem>>)
      %dma_wait3A_633 = arith.constant 144 : i32
      %dma_wait3A_634 = arith.constant 0 : i32
      %dma_wait3A_635 = tpu.memref_slice %arg11[%dma_wait3A_633, %dma_wait3A_634] : memref<256x128xf32, #tpu.memory_space<vmem>> -> memref<16x128xf32, #tpu.memory_space<vmem>>
      %dma_wait3A_636 = arith.constant 0 : i32
      %dma_wait3A_637 = tpu.memref_slice %arg3[%dma_wait3A_636, %multiple_of3A_274] : memref<16x1000000xf32, #tpu.memory_space<hbm>> -> memref<16x128xf32, #tpu.memory_space<hbm>>
      %dma_wait3A_638 = arith.constant 144 : i32
      %dma_wait3A_639 = arith.constant 0 : i32
      %dma_wait3A_640 = tpu.memref_slice %arg11[%dma_wait3A_638, %dma_wait3A_639] : memref<256x128xf32, #tpu.memory_space<vmem>> -> memref<16x128xf32, #tpu.memory_space<vmem>>
      %dma_wait3A_641 = arith.constant 0 : i32
      %dma_wait3A_642 = tpu.memref_slice %arg3[%dma_wait3A_641, %multiple_of3A_274] : memref<16x1000000xf32, #tpu.memory_space<hbm>> -> memref<16x128xf32, #tpu.memory_space<hbm>>
      tpu.wait_dma2 semaphore(%arg14 : memref<!tpu.dma_semaphore, #tpu.memory_space<semaphore_mem>>) src(%dma_wait3A_642 : memref<16x128xf32, #tpu.memory_space<hbm>>) dst(%dma_wait3A_640 : memref<16x128xf32, #tpu.memory_space<vmem>>)
      %dma_wait3A_643 = arith.constant 144 : i32
      %dma_wait3A_644 = arith.constant 0 : i32
      %dma_wait3A_645 = tpu.memref_slice %arg12[%dma_wait3A_643, %dma_wait3A_644] : memref<256x128xf32, #tpu.memory_space<vmem>> -> memref<16x128xf32, #tpu.memory_space<vmem>>
      %dma_wait3A_646 = arith.constant 0 : i32
      %dma_wait3A_647 = tpu.memref_slice %arg4[%dma_wait3A_646, %multiple_of3A_277] : memref<16x1000001xf32, #tpu.memory_space<hbm>> -> memref<16x128xf32, #tpu.memory_space<hbm>>
      %dma_wait3A_648 = arith.constant 144 : i32
      %dma_wait3A_649 = arith.constant 0 : i32
      %dma_wait3A_650 = tpu.memref_slice %arg12[%dma_wait3A_648, %dma_wait3A_649] : memref<256x128xf32, #tpu.memory_space<vmem>> -> memref<16x128xf32, #tpu.memory_space<vmem>>
      %dma_wait3A_651 = arith.constant 0 : i32
      %dma_wait3A_652 = tpu.memref_slice %arg4[%dma_wait3A_651, %multiple_of3A_277] : memref<16x1000001xf32, #tpu.memory_space<hbm>> -> memref<16x128xf32, #tpu.memory_space<hbm>>
      tpu.wait_dma2 semaphore(%arg15 : memref<!tpu.dma_semaphore, #tpu.memory_space<semaphore_mem>>) src(%dma_wait3A_652 : memref<16x128xf32, #tpu.memory_space<hbm>>) dst(%dma_wait3A_650 : memref<16x128xf32, #tpu.memory_space<vmem>>)
      %dma_wait3A_653 = arith.constant 160 : i32
      %dma_wait3A_654 = arith.constant 0 : i32
      %dma_wait3A_655 = tpu.memref_slice %arg11[%dma_wait3A_653, %dma_wait3A_654] : memref<256x128xf32, #tpu.memory_space<vmem>> -> memref<16x128xf32, #tpu.memory_space<vmem>>
      %dma_wait3A_656 = arith.constant 0 : i32
      %dma_wait3A_657 = tpu.memref_slice %arg3[%dma_wait3A_656, %multiple_of3A_300] : memref<16x1000000xf32, #tpu.memory_space<hbm>> -> memref<16x128xf32, #tpu.memory_space<hbm>>
      %dma_wait3A_658 = arith.constant 160 : i32
      %dma_wait3A_659 = arith.constant 0 : i32
      %dma_wait3A_660 = tpu.memref_slice %arg11[%dma_wait3A_658, %dma_wait3A_659] : memref<256x128xf32, #tpu.memory_space<vmem>> -> memref<16x128xf32, #tpu.memory_space<vmem>>
      %dma_wait3A_661 = arith.constant 0 : i32
      %dma_wait3A_662 = tpu.memref_slice %arg3[%dma_wait3A_661, %multiple_of3A_300] : memref<16x1000000xf32, #tpu.memory_space<hbm>> -> memref<16x128xf32, #tpu.memory_space<hbm>>
      tpu.wait_dma2 semaphore(%arg14 : memref<!tpu.dma_semaphore, #tpu.memory_space<semaphore_mem>>) src(%dma_wait3A_662 : memref<16x128xf32, #tpu.memory_space<hbm>>) dst(%dma_wait3A_660 : memref<16x128xf32, #tpu.memory_space<vmem>>)
      %dma_wait3A_663 = arith.constant 160 : i32
      %dma_wait3A_664 = arith.constant 0 : i32
      %dma_wait3A_665 = tpu.memref_slice %arg12[%dma_wait3A_663, %dma_wait3A_664] : memref<256x128xf32, #tpu.memory_space<vmem>> -> memref<16x128xf32, #tpu.memory_space<vmem>>
      %dma_wait3A_666 = arith.constant 0 : i32
      %dma_wait3A_667 = tpu.memref_slice %arg4[%dma_wait3A_666, %multiple_of3A_303] : memref<16x1000001xf32, #tpu.memory_space<hbm>> -> memref<16x128xf32, #tpu.memory_space<hbm>>
      %dma_wait3A_668 = arith.constant 160 : i32
      %dma_wait3A_669 = arith.constant 0 : i32
      %dma_wait3A_670 = tpu.memref_slice %arg12[%dma_wait3A_668, %dma_wait3A_669] : memref<256x128xf32, #tpu.memory_space<vmem>> -> memref<16x128xf32, #tpu.memory_space<vmem>>
      %dma_wait3A_671 = arith.constant 0 : i32
      %dma_wait3A_672 = tpu.memref_slice %arg4[%dma_wait3A_671, %multiple_of3A_303] : memref<16x1000001xf32, #tpu.memory_space<hbm>> -> memref<16x128xf32, #tpu.memory_space<hbm>>
      tpu.wait_dma2 semaphore(%arg15 : memref<!tpu.dma_semaphore, #tpu.memory_space<semaphore_mem>>) src(%dma_wait3A_672 : memref<16x128xf32, #tpu.memory_space<hbm>>) dst(%dma_wait3A_670 : memref<16x128xf32, #tpu.memory_space<vmem>>)
      %dma_wait3A_673 = arith.constant 176 : i32
      %dma_wait3A_674 = arith.constant 0 : i32
      %dma_wait3A_675 = tpu.memref_slice %arg11[%dma_wait3A_673, %dma_wait3A_674] : memref<256x128xf32, #tpu.memory_space<vmem>> -> memref<16x128xf32, #tpu.memory_space<vmem>>
      %dma_wait3A_676 = arith.constant 0 : i32
      %dma_wait3A_677 = tpu.memref_slice %arg3[%dma_wait3A_676, %multiple_of3A_326] : memref<16x1000000xf32, #tpu.memory_space<hbm>> -> memref<16x128xf32, #tpu.memory_space<hbm>>
      %dma_wait3A_678 = arith.constant 176 : i32
      %dma_wait3A_679 = arith.constant 0 : i32
      %dma_wait3A_680 = tpu.memref_slice %arg11[%dma_wait3A_678, %dma_wait3A_679] : memref<256x128xf32, #tpu.memory_space<vmem>> -> memref<16x128xf32, #tpu.memory_space<vmem>>
      %dma_wait3A_681 = arith.constant 0 : i32
      %dma_wait3A_682 = tpu.memref_slice %arg3[%dma_wait3A_681, %multiple_of3A_326] : memref<16x1000000xf32, #tpu.memory_space<hbm>> -> memref<16x128xf32, #tpu.memory_space<hbm>>
      tpu.wait_dma2 semaphore(%arg14 : memref<!tpu.dma_semaphore, #tpu.memory_space<semaphore_mem>>) src(%dma_wait3A_682 : memref<16x128xf32, #tpu.memory_space<hbm>>) dst(%dma_wait3A_680 : memref<16x128xf32, #tpu.memory_space<vmem>>)
      %dma_wait3A_683 = arith.constant 176 : i32
      %dma_wait3A_684 = arith.constant 0 : i32
      %dma_wait3A_685 = tpu.memref_slice %arg12[%dma_wait3A_683, %dma_wait3A_684] : memref<256x128xf32, #tpu.memory_space<vmem>> -> memref<16x128xf32, #tpu.memory_space<vmem>>
      %dma_wait3A_686 = arith.constant 0 : i32
      %dma_wait3A_687 = tpu.memref_slice %arg4[%dma_wait3A_686, %multiple_of3A_329] : memref<16x1000001xf32, #tpu.memory_space<hbm>> -> memref<16x128xf32, #tpu.memory_space<hbm>>
      %dma_wait3A_688 = arith.constant 176 : i32
      %dma_wait3A_689 = arith.constant 0 : i32
      %dma_wait3A_690 = tpu.memref_slice %arg12[%dma_wait3A_688, %dma_wait3A_689] : memref<256x128xf32, #tpu.memory_space<vmem>> -> memref<16x128xf32, #tpu.memory_space<vmem>>
      %dma_wait3A_691 = arith.constant 0 : i32
      %dma_wait3A_692 = tpu.memref_slice %arg4[%dma_wait3A_691, %multiple_of3A_329] : memref<16x1000001xf32, #tpu.memory_space<hbm>> -> memref<16x128xf32, #tpu.memory_space<hbm>>
      tpu.wait_dma2 semaphore(%arg15 : memref<!tpu.dma_semaphore, #tpu.memory_space<semaphore_mem>>) src(%dma_wait3A_692 : memref<16x128xf32, #tpu.memory_space<hbm>>) dst(%dma_wait3A_690 : memref<16x128xf32, #tpu.memory_space<vmem>>)
      %dma_wait3A_693 = arith.constant 192 : i32
      %dma_wait3A_694 = arith.constant 0 : i32
      %dma_wait3A_695 = tpu.memref_slice %arg11[%dma_wait3A_693, %dma_wait3A_694] : memref<256x128xf32, #tpu.memory_space<vmem>> -> memref<16x128xf32, #tpu.memory_space<vmem>>
      %dma_wait3A_696 = arith.constant 0 : i32
      %dma_wait3A_697 = tpu.memref_slice %arg3[%dma_wait3A_696, %multiple_of3A_352] : memref<16x1000000xf32, #tpu.memory_space<hbm>> -> memref<16x128xf32, #tpu.memory_space<hbm>>
      %dma_wait3A_698 = arith.constant 192 : i32
      %dma_wait3A_699 = arith.constant 0 : i32
      %dma_wait3A_700 = tpu.memref_slice %arg11[%dma_wait3A_698, %dma_wait3A_699] : memref<256x128xf32, #tpu.memory_space<vmem>> -> memref<16x128xf32, #tpu.memory_space<vmem>>
      %dma_wait3A_701 = arith.constant 0 : i32
      %dma_wait3A_702 = tpu.memref_slice %arg3[%dma_wait3A_701, %multiple_of3A_352] : memref<16x1000000xf32, #tpu.memory_space<hbm>> -> memref<16x128xf32, #tpu.memory_space<hbm>>
      tpu.wait_dma2 semaphore(%arg14 : memref<!tpu.dma_semaphore, #tpu.memory_space<semaphore_mem>>) src(%dma_wait3A_702 : memref<16x128xf32, #tpu.memory_space<hbm>>) dst(%dma_wait3A_700 : memref<16x128xf32, #tpu.memory_space<vmem>>)
      %dma_wait3A_703 = arith.constant 192 : i32
      %dma_wait3A_704 = arith.constant 0 : i32
      %dma_wait3A_705 = tpu.memref_slice %arg12[%dma_wait3A_703, %dma_wait3A_704] : memref<256x128xf32, #tpu.memory_space<vmem>> -> memref<16x128xf32, #tpu.memory_space<vmem>>
      %dma_wait3A_706 = arith.constant 0 : i32
      %dma_wait3A_707 = tpu.memref_slice %arg4[%dma_wait3A_706, %multiple_of3A_355] : memref<16x1000001xf32, #tpu.memory_space<hbm>> -> memref<16x128xf32, #tpu.memory_space<hbm>>
      %dma_wait3A_708 = arith.constant 192 : i32
      %dma_wait3A_709 = arith.constant 0 : i32
      %dma_wait3A_710 = tpu.memref_slice %arg12[%dma_wait3A_708, %dma_wait3A_709] : memref<256x128xf32, #tpu.memory_space<vmem>> -> memref<16x128xf32, #tpu.memory_space<vmem>>
      %dma_wait3A_711 = arith.constant 0 : i32
      %dma_wait3A_712 = tpu.memref_slice %arg4[%dma_wait3A_711, %multiple_of3A_355] : memref<16x1000001xf32, #tpu.memory_space<hbm>> -> memref<16x128xf32, #tpu.memory_space<hbm>>
      tpu.wait_dma2 semaphore(%arg15 : memref<!tpu.dma_semaphore, #tpu.memory_space<semaphore_mem>>) src(%dma_wait3A_712 : memref<16x128xf32, #tpu.memory_space<hbm>>) dst(%dma_wait3A_710 : memref<16x128xf32, #tpu.memory_space<vmem>>)
      %dma_wait3A_713 = arith.constant 208 : i32
      %dma_wait3A_714 = arith.constant 0 : i32
      %dma_wait3A_715 = tpu.memref_slice %arg11[%dma_wait3A_713, %dma_wait3A_714] : memref<256x128xf32, #tpu.memory_space<vmem>> -> memref<16x128xf32, #tpu.memory_space<vmem>>
      %dma_wait3A_716 = arith.constant 0 : i32
      %dma_wait3A_717 = tpu.memref_slice %arg3[%dma_wait3A_716, %multiple_of3A_378] : memref<16x1000000xf32, #tpu.memory_space<hbm>> -> memref<16x128xf32, #tpu.memory_space<hbm>>
      %dma_wait3A_718 = arith.constant 208 : i32
      %dma_wait3A_719 = arith.constant 0 : i32
      %dma_wait3A_720 = tpu.memref_slice %arg11[%dma_wait3A_718, %dma_wait3A_719] : memref<256x128xf32, #tpu.memory_space<vmem>> -> memref<16x128xf32, #tpu.memory_space<vmem>>
      %dma_wait3A_721 = arith.constant 0 : i32
      %dma_wait3A_722 = tpu.memref_slice %arg3[%dma_wait3A_721, %multiple_of3A_378] : memref<16x1000000xf32, #tpu.memory_space<hbm>> -> memref<16x128xf32, #tpu.memory_space<hbm>>
      tpu.wait_dma2 semaphore(%arg14 : memref<!tpu.dma_semaphore, #tpu.memory_space<semaphore_mem>>) src(%dma_wait3A_722 : memref<16x128xf32, #tpu.memory_space<hbm>>) dst(%dma_wait3A_720 : memref<16x128xf32, #tpu.memory_space<vmem>>)
      %dma_wait3A_723 = arith.constant 208 : i32
      %dma_wait3A_724 = arith.constant 0 : i32
      %dma_wait3A_725 = tpu.memref_slice %arg12[%dma_wait3A_723, %dma_wait3A_724] : memref<256x128xf32, #tpu.memory_space<vmem>> -> memref<16x128xf32, #tpu.memory_space<vmem>>
      %dma_wait3A_726 = arith.constant 0 : i32
      %dma_wait3A_727 = tpu.memref_slice %arg4[%dma_wait3A_726, %multiple_of3A_381] : memref<16x1000001xf32, #tpu.memory_space<hbm>> -> memref<16x128xf32, #tpu.memory_space<hbm>>
      %dma_wait3A_728 = arith.constant 208 : i32
      %dma_wait3A_729 = arith.constant 0 : i32
      %dma_wait3A_730 = tpu.memref_slice %arg12[%dma_wait3A_728, %dma_wait3A_729] : memref<256x128xf32, #tpu.memory_space<vmem>> -> memref<16x128xf32, #tpu.memory_space<vmem>>
      %dma_wait3A_731 = arith.constant 0 : i32
      %dma_wait3A_732 = tpu.memref_slice %arg4[%dma_wait3A_731, %multiple_of3A_381] : memref<16x1000001xf32, #tpu.memory_space<hbm>> -> memref<16x128xf32, #tpu.memory_space<hbm>>
      tpu.wait_dma2 semaphore(%arg15 : memref<!tpu.dma_semaphore, #tpu.memory_space<semaphore_mem>>) src(%dma_wait3A_732 : memref<16x128xf32, #tpu.memory_space<hbm>>) dst(%dma_wait3A_730 : memref<16x128xf32, #tpu.memory_space<vmem>>)
      %dma_wait3A_733 = arith.constant 224 : i32
      %dma_wait3A_734 = arith.constant 0 : i32
      %dma_wait3A_735 = tpu.memref_slice %arg11[%dma_wait3A_733, %dma_wait3A_734] : memref<256x128xf32, #tpu.memory_space<vmem>> -> memref<16x128xf32, #tpu.memory_space<vmem>>
      %dma_wait3A_736 = arith.constant 0 : i32
      %dma_wait3A_737 = tpu.memref_slice %arg3[%dma_wait3A_736, %multiple_of3A_404] : memref<16x1000000xf32, #tpu.memory_space<hbm>> -> memref<16x128xf32, #tpu.memory_space<hbm>>
      %dma_wait3A_738 = arith.constant 224 : i32
      %dma_wait3A_739 = arith.constant 0 : i32
      %dma_wait3A_740 = tpu.memref_slice %arg11[%dma_wait3A_738, %dma_wait3A_739] : memref<256x128xf32, #tpu.memory_space<vmem>> -> memref<16x128xf32, #tpu.memory_space<vmem>>
      %dma_wait3A_741 = arith.constant 0 : i32
      %dma_wait3A_742 = tpu.memref_slice %arg3[%dma_wait3A_741, %multiple_of3A_404] : memref<16x1000000xf32, #tpu.memory_space<hbm>> -> memref<16x128xf32, #tpu.memory_space<hbm>>
      tpu.wait_dma2 semaphore(%arg14 : memref<!tpu.dma_semaphore, #tpu.memory_space<semaphore_mem>>) src(%dma_wait3A_742 : memref<16x128xf32, #tpu.memory_space<hbm>>) dst(%dma_wait3A_740 : memref<16x128xf32, #tpu.memory_space<vmem>>)
      %dma_wait3A_743 = arith.constant 224 : i32
      %dma_wait3A_744 = arith.constant 0 : i32
      %dma_wait3A_745 = tpu.memref_slice %arg12[%dma_wait3A_743, %dma_wait3A_744] : memref<256x128xf32, #tpu.memory_space<vmem>> -> memref<16x128xf32, #tpu.memory_space<vmem>>
      %dma_wait3A_746 = arith.constant 0 : i32
      %dma_wait3A_747 = tpu.memref_slice %arg4[%dma_wait3A_746, %multiple_of3A_407] : memref<16x1000001xf32, #tpu.memory_space<hbm>> -> memref<16x128xf32, #tpu.memory_space<hbm>>
      %dma_wait3A_748 = arith.constant 224 : i32
      %dma_wait3A_749 = arith.constant 0 : i32
      %dma_wait3A_750 = tpu.memref_slice %arg12[%dma_wait3A_748, %dma_wait3A_749] : memref<256x128xf32, #tpu.memory_space<vmem>> -> memref<16x128xf32, #tpu.memory_space<vmem>>
      %dma_wait3A_751 = arith.constant 0 : i32
      %dma_wait3A_752 = tpu.memref_slice %arg4[%dma_wait3A_751, %multiple_of3A_407] : memref<16x1000001xf32, #tpu.memory_space<hbm>> -> memref<16x128xf32, #tpu.memory_space<hbm>>
      tpu.wait_dma2 semaphore(%arg15 : memref<!tpu.dma_semaphore, #tpu.memory_space<semaphore_mem>>) src(%dma_wait3A_752 : memref<16x128xf32, #tpu.memory_space<hbm>>) dst(%dma_wait3A_750 : memref<16x128xf32, #tpu.memory_space<vmem>>)
      %dma_wait3A_753 = arith.constant 240 : i32
      %dma_wait3A_754 = arith.constant 0 : i32
      %dma_wait3A_755 = tpu.memref_slice %arg11[%dma_wait3A_753, %dma_wait3A_754] : memref<256x128xf32, #tpu.memory_space<vmem>> -> memref<16x128xf32, #tpu.memory_space<vmem>>
      %dma_wait3A_756 = arith.constant 0 : i32
      %dma_wait3A_757 = tpu.memref_slice %arg3[%dma_wait3A_756, %multiple_of3A_430] : memref<16x1000000xf32, #tpu.memory_space<hbm>> -> memref<16x128xf32, #tpu.memory_space<hbm>>
      %dma_wait3A_758 = arith.constant 240 : i32
      %dma_wait3A_759 = arith.constant 0 : i32
      %dma_wait3A_760 = tpu.memref_slice %arg11[%dma_wait3A_758, %dma_wait3A_759] : memref<256x128xf32, #tpu.memory_space<vmem>> -> memref<16x128xf32, #tpu.memory_space<vmem>>
      %dma_wait3A_761 = arith.constant 0 : i32
      %dma_wait3A_762 = tpu.memref_slice %arg3[%dma_wait3A_761, %multiple_of3A_430] : memref<16x1000000xf32, #tpu.memory_space<hbm>> -> memref<16x128xf32, #tpu.memory_space<hbm>>
      tpu.wait_dma2 semaphore(%arg14 : memref<!tpu.dma_semaphore, #tpu.memory_space<semaphore_mem>>) src(%dma_wait3A_762 : memref<16x128xf32, #tpu.memory_space<hbm>>) dst(%dma_wait3A_760 : memref<16x128xf32, #tpu.memory_space<vmem>>)
      %dma_wait3A_763 = arith.constant 240 : i32
      %dma_wait3A_764 = arith.constant 0 : i32
      %dma_wait3A_765 = tpu.memref_slice %arg12[%dma_wait3A_763, %dma_wait3A_764] : memref<256x128xf32, #tpu.memory_space<vmem>> -> memref<16x128xf32, #tpu.memory_space<vmem>>
      %dma_wait3A_766 = arith.constant 0 : i32
      %dma_wait3A_767 = tpu.memref_slice %arg4[%dma_wait3A_766, %multiple_of3A_433] : memref<16x1000001xf32, #tpu.memory_space<hbm>> -> memref<16x128xf32, #tpu.memory_space<hbm>>
      %dma_wait3A_768 = arith.constant 240 : i32
      %dma_wait3A_769 = arith.constant 0 : i32
      %dma_wait3A_770 = tpu.memref_slice %arg12[%dma_wait3A_768, %dma_wait3A_769] : memref<256x128xf32, #tpu.memory_space<vmem>> -> memref<16x128xf32, #tpu.memory_space<vmem>>
      %dma_wait3A_771 = arith.constant 0 : i32
      %dma_wait3A_772 = tpu.memref_slice %arg4[%dma_wait3A_771, %multiple_of3A_433] : memref<16x1000001xf32, #tpu.memory_space<hbm>> -> memref<16x128xf32, #tpu.memory_space<hbm>>
      tpu.wait_dma2 semaphore(%arg15 : memref<!tpu.dma_semaphore, #tpu.memory_space<semaphore_mem>>) src(%dma_wait3A_772 : memref<16x128xf32, #tpu.memory_space<hbm>>) dst(%dma_wait3A_770 : memref<16x128xf32, #tpu.memory_space<vmem>>)
      %sub3A = arith.subi %gather3A, %min3A_32 : vector<16xi32>
      %min3A_773 = arith.constant 127 : i32
      %min3A_774 = vector.broadcast %min3A_773 : i32 to vector<16xi32>
      %min3A_775 = arith.minsi %sub3A, %min3A_774 : vector<16xi32>
      %sub3A_776 = arith.subi %gather3A_26, %min3A_41 : vector<16xi32>
      %min3A_777 = arith.constant 127 : i32
      %min3A_778 = vector.broadcast %min3A_777 : i32 to vector<16xi32>
      %min3A_779 = arith.minsi %sub3A_776, %min3A_778 : vector<16xi32>
      %ge3A = arith.constant 999936 : i32
      %ge3A_780 = vector.broadcast %ge3A : i32 to vector<16xi32>
      %ge3A_781 = arith.cmpi sge, %gather3A, %ge3A_780 : vector<16xi32>
      %ge3A_782 = arith.constant 999936 : i32
      %ge3A_783 = vector.broadcast %ge3A_782 : i32 to vector<16xi32>
      %ge3A_784 = arith.cmpi sge, %gather3A_26, %ge3A_783 : vector<16xi32>
      %sub3A_785 = arith.constant 999936 : i32
      %sub3A_786 = vector.broadcast %sub3A_785 : i32 to vector<16xi32>
      %sub3A_787 = arith.subi %gather3A, %sub3A_786 : vector<16xi32>
      %jit3A = arith.constant 0 : i32
      %jit3A_788 = arith.constant 127 : i32
      %max3A = vector.broadcast %jit3A : i32 to vector<16xi32>
      %max3A_789 = arith.maxsi %max3A, %sub3A_787 : vector<16xi32>
      %min3A_790 = vector.broadcast %jit3A_788 : i32 to vector<16xi32>
      %min3A_791 = arith.minsi %min3A_790, %max3A_789 : vector<16xi32>
      %sub3A_792 = arith.constant 999936 : i32
      %sub3A_793 = vector.broadcast %sub3A_792 : i32 to vector<16xi32>
      %sub3A_794 = arith.subi %gather3A_26, %sub3A_793 : vector<16xi32>
      %jit3A_795 = arith.constant 0 : i32
      %jit3A_796 = arith.constant 127 : i32
      %max3A_797 = vector.broadcast %jit3A_795 : i32 to vector<16xi32>
      %max3A_798 = arith.maxsi %max3A_797, %sub3A_794 : vector<16xi32>
      %min3A_799 = vector.broadcast %jit3A_796 : i32 to vector<16xi32>
      %min3A_800 = arith.minsi %min3A_799, %max3A_798 : vector<16xi32>
      %broadcast_in_dim3A = arith.constant 0.000000e+00 : f32
      %broadcast_in_dim3A_801 = vector.broadcast %broadcast_in_dim3A : f32 to vector<16xf32>
      %mul3A_802 = arith.constant 16 : i32
      %mul3A_803 = vector.broadcast %mul3A_802 : i32 to vector<16xi32>
      %mul3A_804 = arith.muli %iota3A, %mul3A_803 : vector<16xi32>
      %add3A_805 = arith.constant 0 : i32
      %add3A_806 = vector.broadcast %add3A_805 : i32 to vector<16xi32>
      %add3A_807 = arith.addi %mul3A_804, %add3A_806 : vector<16xi32>
      %gather3A_808 = tpu.vector_load_idx %arg11[%add3A_807, %min3A_775] : memref<256x128xf32, #tpu.memory_space<vmem>>[vector<16xi32>, vector<16xi32>], vector<16xf32>,
      %gather3A_809 = tpu.vector_load_idx %arg12[%add3A_807, %min3A_779] : memref<256x128xf32, #tpu.memory_space<vmem>>[vector<16xi32>, vector<16xi32>], vector<16xf32>,
      %add3A_810 = arith.constant 0 : i32
      %add3A_811 = vector.broadcast %add3A_810 : i32 to vector<16xi32>
      %add3A_812 = arith.addi %add3A_811, %min3A_791 : vector<16xi32>
      %gather3A_813 = tpu.vector_load_idx %arg9[%add3A_812] : memref<2048xf32, #tpu.memory_space<vmem>>[vector<16xi32>], vector<16xf32>,
      %add3A_814 = arith.constant 0 : i32
      %add3A_815 = vector.broadcast %add3A_814 : i32 to vector<16xi32>
      %add3A_816 = arith.addi %add3A_815, %min3A_800 : vector<16xi32>
      %gather3A_817 = tpu.vector_load_idx %arg10[%add3A_816] : memref<2048xf32, #tpu.memory_space<vmem>>[vector<16xi32>], vector<16xf32>,
      %select_n3A = arith.select %ge3A_781, %gather3A_813, %gather3A_808 : vector<16xi1>, vector<16xf32>
      %select_n3A_818 = arith.select %ge3A_784, %gather3A_817, %gather3A_809 : vector<16xi1>, vector<16xf32>
      %mul3A_819 = arith.mulf %select_n3A, %select_n3A_818 : vector<16xf32>
      %add3A_820 = arith.addf %broadcast_in_dim3A_801, %mul3A_819 : vector<16xf32>
      %mul3A_821 = arith.constant 16 : i32
      %mul3A_822 = vector.broadcast %mul3A_821 : i32 to vector<16xi32>
      %mul3A_823 = arith.muli %iota3A, %mul3A_822 : vector<16xi32>
      %add3A_824 = arith.constant 1 : i32
      %add3A_825 = vector.broadcast %add3A_824 : i32 to vector<16xi32>
      %add3A_826 = arith.addi %mul3A_823, %add3A_825 : vector<16xi32>
      %gather3A_827 = tpu.vector_load_idx %arg11[%add3A_826, %min3A_775] : memref<256x128xf32, #tpu.memory_space<vmem>>[vector<16xi32>, vector<16xi32>], vector<16xf32>,
      %gather3A_828 = tpu.vector_load_idx %arg12[%add3A_826, %min3A_779] : memref<256x128xf32, #tpu.memory_space<vmem>>[vector<16xi32>, vector<16xi32>], vector<16xf32>,
      %add3A_829 = arith.constant 128 : i32
      %add3A_830 = vector.broadcast %add3A_829 : i32 to vector<16xi32>
      %add3A_831 = arith.addi %add3A_830, %min3A_791 : vector<16xi32>
      %gather3A_832 = tpu.vector_load_idx %arg9[%add3A_831] : memref<2048xf32, #tpu.memory_space<vmem>>[vector<16xi32>], vector<16xf32>,
      %add3A_833 = arith.constant 128 : i32
      %add3A_834 = vector.broadcast %add3A_833 : i32 to vector<16xi32>
      %add3A_835 = arith.addi %add3A_834, %min3A_800 : vector<16xi32>
      %gather3A_836 = tpu.vector_load_idx %arg10[%add3A_835] : memref<2048xf32, #tpu.memory_space<vmem>>[vector<16xi32>], vector<16xf32>,
      %select_n3A_837 = arith.select %ge3A_781, %gather3A_832, %gather3A_827 : vector<16xi1>, vector<16xf32>
      %select_n3A_838 = arith.select %ge3A_784, %gather3A_836, %gather3A_828 : vector<16xi1>, vector<16xf32>
      %mul3A_839 = arith.mulf %select_n3A_837, %select_n3A_838 : vector<16xf32>
      %add3A_840 = arith.addf %add3A_820, %mul3A_839 : vector<16xf32>
      %mul3A_841 = arith.constant 16 : i32
      %mul3A_842 = vector.broadcast %mul3A_841 : i32 to vector<16xi32>
      %mul3A_843 = arith.muli %iota3A, %mul3A_842 : vector<16xi32>
      %add3A_844 = arith.constant 2 : i32
      %add3A_845 = vector.broadcast %add3A_844 : i32 to vector<16xi32>
      %add3A_846 = arith.addi %mul3A_843, %add3A_845 : vector<16xi32>
      %gather3A_847 = tpu.vector_load_idx %arg11[%add3A_846, %min3A_775] : memref<256x128xf32, #tpu.memory_space<vmem>>[vector<16xi32>, vector<16xi32>], vector<16xf32>,
      %gather3A_848 = tpu.vector_load_idx %arg12[%add3A_846, %min3A_779] : memref<256x128xf32, #tpu.memory_space<vmem>>[vector<16xi32>, vector<16xi32>], vector<16xf32>,
      %add3A_849 = arith.constant 256 : i32
      %add3A_850 = vector.broadcast %add3A_849 : i32 to vector<16xi32>
      %add3A_851 = arith.addi %add3A_850, %min3A_791 : vector<16xi32>
      %gather3A_852 = tpu.vector_load_idx %arg9[%add3A_851] : memref<2048xf32, #tpu.memory_space<vmem>>[vector<16xi32>], vector<16xf32>,
      %add3A_853 = arith.constant 256 : i32
      %add3A_854 = vector.broadcast %add3A_853 : i32 to vector<16xi32>
      %add3A_855 = arith.addi %add3A_854, %min3A_800 : vector<16xi32>
      %gather3A_856 = tpu.vector_load_idx %arg10[%add3A_855] : memref<2048xf32, #tpu.memory_space<vmem>>[vector<16xi32>], vector<16xf32>,
      %select_n3A_857 = arith.select %ge3A_781, %gather3A_852, %gather3A_847 : vector<16xi1>, vector<16xf32>
      %select_n3A_858 = arith.select %ge3A_784, %gather3A_856, %gather3A_848 : vector<16xi1>, vector<16xf32>
      %mul3A_859 = arith.mulf %select_n3A_857, %select_n3A_858 : vector<16xf32>
      %add3A_860 = arith.addf %add3A_840, %mul3A_859 : vector<16xf32>
      %mul3A_861 = arith.constant 16 : i32
      %mul3A_862 = vector.broadcast %mul3A_861 : i32 to vector<16xi32>
      %mul3A_863 = arith.muli %iota3A, %mul3A_862 : vector<16xi32>
      %add3A_864 = arith.constant 3 : i32
      %add3A_865 = vector.broadcast %add3A_864 : i32 to vector<16xi32>
      %add3A_866 = arith.addi %mul3A_863, %add3A_865 : vector<16xi32>
      %gather3A_867 = tpu.vector_load_idx %arg11[%add3A_866, %min3A_775] : memref<256x128xf32, #tpu.memory_space<vmem>>[vector<16xi32>, vector<16xi32>], vector<16xf32>,
      %gather3A_868 = tpu.vector_load_idx %arg12[%add3A_866, %min3A_779] : memref<256x128xf32, #tpu.memory_space<vmem>>[vector<16xi32>, vector<16xi32>], vector<16xf32>,
      %add3A_869 = arith.constant 384 : i32
      %add3A_870 = vector.broadcast %add3A_869 : i32 to vector<16xi32>
      %add3A_871 = arith.addi %add3A_870, %min3A_791 : vector<16xi32>
      %gather3A_872 = tpu.vector_load_idx %arg9[%add3A_871] : memref<2048xf32, #tpu.memory_space<vmem>>[vector<16xi32>], vector<16xf32>,
      %add3A_873 = arith.constant 384 : i32
      %add3A_874 = vector.broadcast %add3A_873 : i32 to vector<16xi32>
      %add3A_875 = arith.addi %add3A_874, %min3A_800 : vector<16xi32>
      %gather3A_876 = tpu.vector_load_idx %arg10[%add3A_875] : memref<2048xf32, #tpu.memory_space<vmem>>[vector<16xi32>], vector<16xf32>,
      %select_n3A_877 = arith.select %ge3A_781, %gather3A_872, %gather3A_867 : vector<16xi1>, vector<16xf32>
      %select_n3A_878 = arith.select %ge3A_784, %gather3A_876, %gather3A_868 : vector<16xi1>, vector<16xf32>
      %mul3A_879 = arith.mulf %select_n3A_877, %select_n3A_878 : vector<16xf32>
      %add3A_880 = arith.addf %add3A_860, %mul3A_879 : vector<16xf32>
      %mul3A_881 = arith.constant 16 : i32
      %mul3A_882 = vector.broadcast %mul3A_881 : i32 to vector<16xi32>
      %mul3A_883 = arith.muli %iota3A, %mul3A_882 : vector<16xi32>
      %add3A_884 = arith.constant 4 : i32
      %add3A_885 = vector.broadcast %add3A_884 : i32 to vector<16xi32>
      %add3A_886 = arith.addi %mul3A_883, %add3A_885 : vector<16xi32>
      %gather3A_887 = tpu.vector_load_idx %arg11[%add3A_886, %min3A_775] : memref<256x128xf32, #tpu.memory_space<vmem>>[vector<16xi32>, vector<16xi32>], vector<16xf32>,
      %gather3A_888 = tpu.vector_load_idx %arg12[%add3A_886, %min3A_779] : memref<256x128xf32, #tpu.memory_space<vmem>>[vector<16xi32>, vector<16xi32>], vector<16xf32>,
      %add3A_889 = arith.constant 512 : i32
      %add3A_890 = vector.broadcast %add3A_889 : i32 to vector<16xi32>
      %add3A_891 = arith.addi %add3A_890, %min3A_791 : vector<16xi32>
      %gather3A_892 = tpu.vector_load_idx %arg9[%add3A_891] : memref<2048xf32, #tpu.memory_space<vmem>>[vector<16xi32>], vector<16xf32>,
      %add3A_893 = arith.constant 512 : i32
      %add3A_894 = vector.broadcast %add3A_893 : i32 to vector<16xi32>
      %add3A_895 = arith.addi %add3A_894, %min3A_800 : vector<16xi32>
      %gather3A_896 = tpu.vector_load_idx %arg10[%add3A_895] : memref<2048xf32, #tpu.memory_space<vmem>>[vector<16xi32>], vector<16xf32>,
      %select_n3A_897 = arith.select %ge3A_781, %gather3A_892, %gather3A_887 : vector<16xi1>, vector<16xf32>
      %select_n3A_898 = arith.select %ge3A_784, %gather3A_896, %gather3A_888 : vector<16xi1>, vector<16xf32>
      %mul3A_899 = arith.mulf %select_n3A_897, %select_n3A_898 : vector<16xf32>
      %add3A_900 = arith.addf %add3A_880, %mul3A_899 : vector<16xf32>
      %mul3A_901 = arith.constant 16 : i32
      %mul3A_902 = vector.broadcast %mul3A_901 : i32 to vector<16xi32>
      %mul3A_903 = arith.muli %iota3A, %mul3A_902 : vector<16xi32>
      %add3A_904 = arith.constant 5 : i32
      %add3A_905 = vector.broadcast %add3A_904 : i32 to vector<16xi32>
      %add3A_906 = arith.addi %mul3A_903, %add3A_905 : vector<16xi32>
      %gather3A_907 = tpu.vector_load_idx %arg11[%add3A_906, %min3A_775] : memref<256x128xf32, #tpu.memory_space<vmem>>[vector<16xi32>, vector<16xi32>], vector<16xf32>,
      %gather3A_908 = tpu.vector_load_idx %arg12[%add3A_906, %min3A_779] : memref<256x128xf32, #tpu.memory_space<vmem>>[vector<16xi32>, vector<16xi32>], vector<16xf32>,
      %add3A_909 = arith.constant 640 : i32
      %add3A_910 = vector.broadcast %add3A_909 : i32 to vector<16xi32>
      %add3A_911 = arith.addi %add3A_910, %min3A_791 : vector<16xi32>
      %gather3A_912 = tpu.vector_load_idx %arg9[%add3A_911] : memref<2048xf32, #tpu.memory_space<vmem>>[vector<16xi32>], vector<16xf32>,
      %add3A_913 = arith.constant 640 : i32
      %add3A_914 = vector.broadcast %add3A_913 : i32 to vector<16xi32>
      %add3A_915 = arith.addi %add3A_914, %min3A_800 : vector<16xi32>
      %gather3A_916 = tpu.vector_load_idx %arg10[%add3A_915] : memref<2048xf32, #tpu.memory_space<vmem>>[vector<16xi32>], vector<16xf32>,
      %select_n3A_917 = arith.select %ge3A_781, %gather3A_912, %gather3A_907 : vector<16xi1>, vector<16xf32>
      %select_n3A_918 = arith.select %ge3A_784, %gather3A_916, %gather3A_908 : vector<16xi1>, vector<16xf32>
      %mul3A_919 = arith.mulf %select_n3A_917, %select_n3A_918 : vector<16xf32>
      %add3A_920 = arith.addf %add3A_900, %mul3A_919 : vector<16xf32>
      %mul3A_921 = arith.constant 16 : i32
      %mul3A_922 = vector.broadcast %mul3A_921 : i32 to vector<16xi32>
      %mul3A_923 = arith.muli %iota3A, %mul3A_922 : vector<16xi32>
      %add3A_924 = arith.constant 6 : i32
      %add3A_925 = vector.broadcast %add3A_924 : i32 to vector<16xi32>
      %add3A_926 = arith.addi %mul3A_923, %add3A_925 : vector<16xi32>
      %gather3A_927 = tpu.vector_load_idx %arg11[%add3A_926, %min3A_775] : memref<256x128xf32, #tpu.memory_space<vmem>>[vector<16xi32>, vector<16xi32>], vector<16xf32>,
      %gather3A_928 = tpu.vector_load_idx %arg12[%add3A_926, %min3A_779] : memref<256x128xf32, #tpu.memory_space<vmem>>[vector<16xi32>, vector<16xi32>], vector<16xf32>,
      %add3A_929 = arith.constant 768 : i32
      %add3A_930 = vector.broadcast %add3A_929 : i32 to vector<16xi32>
      %add3A_931 = arith.addi %add3A_930, %min3A_791 : vector<16xi32>
      %gather3A_932 = tpu.vector_load_idx %arg9[%add3A_931] : memref<2048xf32, #tpu.memory_space<vmem>>[vector<16xi32>], vector<16xf32>,
      %add3A_933 = arith.constant 768 : i32
      %add3A_934 = vector.broadcast %add3A_933 : i32 to vector<16xi32>
      %add3A_935 = arith.addi %add3A_934, %min3A_800 : vector<16xi32>
      %gather3A_936 = tpu.vector_load_idx %arg10[%add3A_935] : memref<2048xf32, #tpu.memory_space<vmem>>[vector<16xi32>], vector<16xf32>,
      %select_n3A_937 = arith.select %ge3A_781, %gather3A_932, %gather3A_927 : vector<16xi1>, vector<16xf32>
      %select_n3A_938 = arith.select %ge3A_784, %gather3A_936, %gather3A_928 : vector<16xi1>, vector<16xf32>
      %mul3A_939 = arith.mulf %select_n3A_937, %select_n3A_938 : vector<16xf32>
      %add3A_940 = arith.addf %add3A_920, %mul3A_939 : vector<16xf32>
      %mul3A_941 = arith.constant 16 : i32
      %mul3A_942 = vector.broadcast %mul3A_941 : i32 to vector<16xi32>
      %mul3A_943 = arith.muli %iota3A, %mul3A_942 : vector<16xi32>
      %add3A_944 = arith.constant 7 : i32
      %add3A_945 = vector.broadcast %add3A_944 : i32 to vector<16xi32>
      %add3A_946 = arith.addi %mul3A_943, %add3A_945 : vector<16xi32>
      %gather3A_947 = tpu.vector_load_idx %arg11[%add3A_946, %min3A_775] : memref<256x128xf32, #tpu.memory_space<vmem>>[vector<16xi32>, vector<16xi32>], vector<16xf32>,
      %gather3A_948 = tpu.vector_load_idx %arg12[%add3A_946, %min3A_779] : memref<256x128xf32, #tpu.memory_space<vmem>>[vector<16xi32>, vector<16xi32>], vector<16xf32>,
      %add3A_949 = arith.constant 896 : i32
      %add3A_950 = vector.broadcast %add3A_949 : i32 to vector<16xi32>
      %add3A_951 = arith.addi %add3A_950, %min3A_791 : vector<16xi32>
      %gather3A_952 = tpu.vector_load_idx %arg9[%add3A_951] : memref<2048xf32, #tpu.memory_space<vmem>>[vector<16xi32>], vector<16xf32>,
      %add3A_953 = arith.constant 896 : i32
      %add3A_954 = vector.broadcast %add3A_953 : i32 to vector<16xi32>
      %add3A_955 = arith.addi %add3A_954, %min3A_800 : vector<16xi32>
      %gather3A_956 = tpu.vector_load_idx %arg10[%add3A_955] : memref<2048xf32, #tpu.memory_space<vmem>>[vector<16xi32>], vector<16xf32>,
      %select_n3A_957 = arith.select %ge3A_781, %gather3A_952, %gather3A_947 : vector<16xi1>, vector<16xf32>
      %select_n3A_958 = arith.select %ge3A_784, %gather3A_956, %gather3A_948 : vector<16xi1>, vector<16xf32>
      %mul3A_959 = arith.mulf %select_n3A_957, %select_n3A_958 : vector<16xf32>
      %add3A_960 = arith.addf %add3A_940, %mul3A_959 : vector<16xf32>
      %mul3A_961 = arith.constant 16 : i32
      %mul3A_962 = vector.broadcast %mul3A_961 : i32 to vector<16xi32>
      %mul3A_963 = arith.muli %iota3A, %mul3A_962 : vector<16xi32>
      %add3A_964 = arith.constant 8 : i32
      %add3A_965 = vector.broadcast %add3A_964 : i32 to vector<16xi32>
      %add3A_966 = arith.addi %mul3A_963, %add3A_965 : vector<16xi32>
      %gather3A_967 = tpu.vector_load_idx %arg11[%add3A_966, %min3A_775] : memref<256x128xf32, #tpu.memory_space<vmem>>[vector<16xi32>, vector<16xi32>], vector<16xf32>,
      %gather3A_968 = tpu.vector_load_idx %arg12[%add3A_966, %min3A_779] : memref<256x128xf32, #tpu.memory_space<vmem>>[vector<16xi32>, vector<16xi32>], vector<16xf32>,
      %add3A_969 = arith.constant 1024 : i32
      %add3A_970 = vector.broadcast %add3A_969 : i32 to vector<16xi32>
      %add3A_971 = arith.addi %add3A_970, %min3A_791 : vector<16xi32>
      %gather3A_972 = tpu.vector_load_idx %arg9[%add3A_971] : memref<2048xf32, #tpu.memory_space<vmem>>[vector<16xi32>], vector<16xf32>,
      %add3A_973 = arith.constant 1024 : i32
      %add3A_974 = vector.broadcast %add3A_973 : i32 to vector<16xi32>
      %add3A_975 = arith.addi %add3A_974, %min3A_800 : vector<16xi32>
      %gather3A_976 = tpu.vector_load_idx %arg10[%add3A_975] : memref<2048xf32, #tpu.memory_space<vmem>>[vector<16xi32>], vector<16xf32>,
      %select_n3A_977 = arith.select %ge3A_781, %gather3A_972, %gather3A_967 : vector<16xi1>, vector<16xf32>
      %select_n3A_978 = arith.select %ge3A_784, %gather3A_976, %gather3A_968 : vector<16xi1>, vector<16xf32>
      %mul3A_979 = arith.mulf %select_n3A_977, %select_n3A_978 : vector<16xf32>
      %add3A_980 = arith.addf %add3A_960, %mul3A_979 : vector<16xf32>
      %mul3A_981 = arith.constant 16 : i32
      %mul3A_982 = vector.broadcast %mul3A_981 : i32 to vector<16xi32>
      %mul3A_983 = arith.muli %iota3A, %mul3A_982 : vector<16xi32>
      %add3A_984 = arith.constant 9 : i32
      %add3A_985 = vector.broadcast %add3A_984 : i32 to vector<16xi32>
      %add3A_986 = arith.addi %mul3A_983, %add3A_985 : vector<16xi32>
      %gather3A_987 = tpu.vector_load_idx %arg11[%add3A_986, %min3A_775] : memref<256x128xf32, #tpu.memory_space<vmem>>[vector<16xi32>, vector<16xi32>], vector<16xf32>,
      %gather3A_988 = tpu.vector_load_idx %arg12[%add3A_986, %min3A_779] : memref<256x128xf32, #tpu.memory_space<vmem>>[vector<16xi32>, vector<16xi32>], vector<16xf32>,
      %add3A_989 = arith.constant 1152 : i32
      %add3A_990 = vector.broadcast %add3A_989 : i32 to vector<16xi32>
      %add3A_991 = arith.addi %add3A_990, %min3A_791 : vector<16xi32>
      %gather3A_992 = tpu.vector_load_idx %arg9[%add3A_991] : memref<2048xf32, #tpu.memory_space<vmem>>[vector<16xi32>], vector<16xf32>,
      %add3A_993 = arith.constant 1152 : i32
      %add3A_994 = vector.broadcast %add3A_993 : i32 to vector<16xi32>
      %add3A_995 = arith.addi %add3A_994, %min3A_800 : vector<16xi32>
      %gather3A_996 = tpu.vector_load_idx %arg10[%add3A_995] : memref<2048xf32, #tpu.memory_space<vmem>>[vector<16xi32>], vector<16xf32>,
      %select_n3A_997 = arith.select %ge3A_781, %gather3A_992, %gather3A_987 : vector<16xi1>, vector<16xf32>
      %select_n3A_998 = arith.select %ge3A_784, %gather3A_996, %gather3A_988 : vector<16xi1>, vector<16xf32>
      %mul3A_999 = arith.mulf %select_n3A_997, %select_n3A_998 : vector<16xf32>
      %add3A_1000 = arith.addf %add3A_980, %mul3A_999 : vector<16xf32>
      %mul3A_1001 = arith.constant 16 : i32
      %mul3A_1002 = vector.broadcast %mul3A_1001 : i32 to vector<16xi32>
      %mul3A_1003 = arith.muli %iota3A, %mul3A_1002 : vector<16xi32>
      %add3A_1004 = arith.constant 10 : i32
      %add3A_1005 = vector.broadcast %add3A_1004 : i32 to vector<16xi32>
      %add3A_1006 = arith.addi %mul3A_1003, %add3A_1005 : vector<16xi32>
      %gather3A_1007 = tpu.vector_load_idx %arg11[%add3A_1006, %min3A_775] : memref<256x128xf32, #tpu.memory_space<vmem>>[vector<16xi32>, vector<16xi32>], vector<16xf32>,
      %gather3A_1008 = tpu.vector_load_idx %arg12[%add3A_1006, %min3A_779] : memref<256x128xf32, #tpu.memory_space<vmem>>[vector<16xi32>, vector<16xi32>], vector<16xf32>,
      %add3A_1009 = arith.constant 1280 : i32
      %add3A_1010 = vector.broadcast %add3A_1009 : i32 to vector<16xi32>
      %add3A_1011 = arith.addi %add3A_1010, %min3A_791 : vector<16xi32>
      %gather3A_1012 = tpu.vector_load_idx %arg9[%add3A_1011] : memref<2048xf32, #tpu.memory_space<vmem>>[vector<16xi32>], vector<16xf32>,
      %add3A_1013 = arith.constant 1280 : i32
      %add3A_1014 = vector.broadcast %add3A_1013 : i32 to vector<16xi32>
      %add3A_1015 = arith.addi %add3A_1014, %min3A_800 : vector<16xi32>
      %gather3A_1016 = tpu.vector_load_idx %arg10[%add3A_1015] : memref<2048xf32, #tpu.memory_space<vmem>>[vector<16xi32>], vector<16xf32>,
      %select_n3A_1017 = arith.select %ge3A_781, %gather3A_1012, %gather3A_1007 : vector<16xi1>, vector<16xf32>
      %select_n3A_1018 = arith.select %ge3A_784, %gather3A_1016, %gather3A_1008 : vector<16xi1>, vector<16xf32>
      %mul3A_1019 = arith.mulf %select_n3A_1017, %select_n3A_1018 : vector<16xf32>
      %add3A_1020 = arith.addf %add3A_1000, %mul3A_1019 : vector<16xf32>
      %mul3A_1021 = arith.constant 16 : i32
      %mul3A_1022 = vector.broadcast %mul3A_1021 : i32 to vector<16xi32>
      %mul3A_1023 = arith.muli %iota3A, %mul3A_1022 : vector<16xi32>
      %add3A_1024 = arith.constant 11 : i32
      %add3A_1025 = vector.broadcast %add3A_1024 : i32 to vector<16xi32>
      %add3A_1026 = arith.addi %mul3A_1023, %add3A_1025 : vector<16xi32>
      %gather3A_1027 = tpu.vector_load_idx %arg11[%add3A_1026, %min3A_775] : memref<256x128xf32, #tpu.memory_space<vmem>>[vector<16xi32>, vector<16xi32>], vector<16xf32>,
      %gather3A_1028 = tpu.vector_load_idx %arg12[%add3A_1026, %min3A_779] : memref<256x128xf32, #tpu.memory_space<vmem>>[vector<16xi32>, vector<16xi32>], vector<16xf32>,
      %add3A_1029 = arith.constant 1408 : i32
      %add3A_1030 = vector.broadcast %add3A_1029 : i32 to vector<16xi32>
      %add3A_1031 = arith.addi %add3A_1030, %min3A_791 : vector<16xi32>
      %gather3A_1032 = tpu.vector_load_idx %arg9[%add3A_1031] : memref<2048xf32, #tpu.memory_space<vmem>>[vector<16xi32>], vector<16xf32>,
      %add3A_1033 = arith.constant 1408 : i32
      %add3A_1034 = vector.broadcast %add3A_1033 : i32 to vector<16xi32>
      %add3A_1035 = arith.addi %add3A_1034, %min3A_800 : vector<16xi32>
      %gather3A_1036 = tpu.vector_load_idx %arg10[%add3A_1035] : memref<2048xf32, #tpu.memory_space<vmem>>[vector<16xi32>], vector<16xf32>,
      %select_n3A_1037 = arith.select %ge3A_781, %gather3A_1032, %gather3A_1027 : vector<16xi1>, vector<16xf32>
      %select_n3A_1038 = arith.select %ge3A_784, %gather3A_1036, %gather3A_1028 : vector<16xi1>, vector<16xf32>
      %mul3A_1039 = arith.mulf %select_n3A_1037, %select_n3A_1038 : vector<16xf32>
      %add3A_1040 = arith.addf %add3A_1020, %mul3A_1039 : vector<16xf32>
      %mul3A_1041 = arith.constant 16 : i32
      %mul3A_1042 = vector.broadcast %mul3A_1041 : i32 to vector<16xi32>
      %mul3A_1043 = arith.muli %iota3A, %mul3A_1042 : vector<16xi32>
      %add3A_1044 = arith.constant 12 : i32
      %add3A_1045 = vector.broadcast %add3A_1044 : i32 to vector<16xi32>
      %add3A_1046 = arith.addi %mul3A_1043, %add3A_1045 : vector<16xi32>
      %gather3A_1047 = tpu.vector_load_idx %arg11[%add3A_1046, %min3A_775] : memref<256x128xf32, #tpu.memory_space<vmem>>[vector<16xi32>, vector<16xi32>], vector<16xf32>,
      %gather3A_1048 = tpu.vector_load_idx %arg12[%add3A_1046, %min3A_779] : memref<256x128xf32, #tpu.memory_space<vmem>>[vector<16xi32>, vector<16xi32>], vector<16xf32>,
      %add3A_1049 = arith.constant 1536 : i32
      %add3A_1050 = vector.broadcast %add3A_1049 : i32 to vector<16xi32>
      %add3A_1051 = arith.addi %add3A_1050, %min3A_791 : vector<16xi32>
      %gather3A_1052 = tpu.vector_load_idx %arg9[%add3A_1051] : memref<2048xf32, #tpu.memory_space<vmem>>[vector<16xi32>], vector<16xf32>,
      %add3A_1053 = arith.constant 1536 : i32
      %add3A_1054 = vector.broadcast %add3A_1053 : i32 to vector<16xi32>
      %add3A_1055 = arith.addi %add3A_1054, %min3A_800 : vector<16xi32>
      %gather3A_1056 = tpu.vector_load_idx %arg10[%add3A_1055] : memref<2048xf32, #tpu.memory_space<vmem>>[vector<16xi32>], vector<16xf32>,
      %select_n3A_1057 = arith.select %ge3A_781, %gather3A_1052, %gather3A_1047 : vector<16xi1>, vector<16xf32>
      %select_n3A_1058 = arith.select %ge3A_784, %gather3A_1056, %gather3A_1048 : vector<16xi1>, vector<16xf32>
      %mul3A_1059 = arith.mulf %select_n3A_1057, %select_n3A_1058 : vector<16xf32>
      %add3A_1060 = arith.addf %add3A_1040, %mul3A_1059 : vector<16xf32>
      %mul3A_1061 = arith.constant 16 : i32
      %mul3A_1062 = vector.broadcast %mul3A_1061 : i32 to vector<16xi32>
      %mul3A_1063 = arith.muli %iota3A, %mul3A_1062 : vector<16xi32>
      %add3A_1064 = arith.constant 13 : i32
      %add3A_1065 = vector.broadcast %add3A_1064 : i32 to vector<16xi32>
      %add3A_1066 = arith.addi %mul3A_1063, %add3A_1065 : vector<16xi32>
      %gather3A_1067 = tpu.vector_load_idx %arg11[%add3A_1066, %min3A_775] : memref<256x128xf32, #tpu.memory_space<vmem>>[vector<16xi32>, vector<16xi32>], vector<16xf32>,
      %gather3A_1068 = tpu.vector_load_idx %arg12[%add3A_1066, %min3A_779] : memref<256x128xf32, #tpu.memory_space<vmem>>[vector<16xi32>, vector<16xi32>], vector<16xf32>,
      %add3A_1069 = arith.constant 1664 : i32
      %add3A_1070 = vector.broadcast %add3A_1069 : i32 to vector<16xi32>
      %add3A_1071 = arith.addi %add3A_1070, %min3A_791 : vector<16xi32>
      %gather3A_1072 = tpu.vector_load_idx %arg9[%add3A_1071] : memref<2048xf32, #tpu.memory_space<vmem>>[vector<16xi32>], vector<16xf32>,
      %add3A_1073 = arith.constant 1664 : i32
      %add3A_1074 = vector.broadcast %add3A_1073 : i32 to vector<16xi32>
      %add3A_1075 = arith.addi %add3A_1074, %min3A_800 : vector<16xi32>
      %gather3A_1076 = tpu.vector_load_idx %arg10[%add3A_1075] : memref<2048xf32, #tpu.memory_space<vmem>>[vector<16xi32>], vector<16xf32>,
      %select_n3A_1077 = arith.select %ge3A_781, %gather3A_1072, %gather3A_1067 : vector<16xi1>, vector<16xf32>
      %select_n3A_1078 = arith.select %ge3A_784, %gather3A_1076, %gather3A_1068 : vector<16xi1>, vector<16xf32>
      %mul3A_1079 = arith.mulf %select_n3A_1077, %select_n3A_1078 : vector<16xf32>
      %add3A_1080 = arith.addf %add3A_1060, %mul3A_1079 : vector<16xf32>
      %mul3A_1081 = arith.constant 16 : i32
      %mul3A_1082 = vector.broadcast %mul3A_1081 : i32 to vector<16xi32>
      %mul3A_1083 = arith.muli %iota3A, %mul3A_1082 : vector<16xi32>
      %add3A_1084 = arith.constant 14 : i32
      %add3A_1085 = vector.broadcast %add3A_1084 : i32 to vector<16xi32>
      %add3A_1086 = arith.addi %mul3A_1083, %add3A_1085 : vector<16xi32>
      %gather3A_1087 = tpu.vector_load_idx %arg11[%add3A_1086, %min3A_775] : memref<256x128xf32, #tpu.memory_space<vmem>>[vector<16xi32>, vector<16xi32>], vector<16xf32>,
      %gather3A_1088 = tpu.vector_load_idx %arg12[%add3A_1086, %min3A_779] : memref<256x128xf32, #tpu.memory_space<vmem>>[vector<16xi32>, vector<16xi32>], vector<16xf32>,
      %add3A_1089 = arith.constant 1792 : i32
      %add3A_1090 = vector.broadcast %add3A_1089 : i32 to vector<16xi32>
      %add3A_1091 = arith.addi %add3A_1090, %min3A_791 : vector<16xi32>
      %gather3A_1092 = tpu.vector_load_idx %arg9[%add3A_1091] : memref<2048xf32, #tpu.memory_space<vmem>>[vector<16xi32>], vector<16xf32>,
      %add3A_1093 = arith.constant 1792 : i32
      %add3A_1094 = vector.broadcast %add3A_1093 : i32 to vector<16xi32>
      %add3A_1095 = arith.addi %add3A_1094, %min3A_800 : vector<16xi32>
      %gather3A_1096 = tpu.vector_load_idx %arg10[%add3A_1095] : memref<2048xf32, #tpu.memory_space<vmem>>[vector<16xi32>], vector<16xf32>,
      %select_n3A_1097 = arith.select %ge3A_781, %gather3A_1092, %gather3A_1087 : vector<16xi1>, vector<16xf32>
      %select_n3A_1098 = arith.select %ge3A_784, %gather3A_1096, %gather3A_1088 : vector<16xi1>, vector<16xf32>
      %mul3A_1099 = arith.mulf %select_n3A_1097, %select_n3A_1098 : vector<16xf32>
      %add3A_1100 = arith.addf %add3A_1080, %mul3A_1099 : vector<16xf32>
      %mul3A_1101 = arith.constant 16 : i32
      %mul3A_1102 = vector.broadcast %mul3A_1101 : i32 to vector<16xi32>
      %mul3A_1103 = arith.muli %iota3A, %mul3A_1102 : vector<16xi32>
      %add3A_1104 = arith.constant 15 : i32
      %add3A_1105 = vector.broadcast %add3A_1104 : i32 to vector<16xi32>
      %add3A_1106 = arith.addi %mul3A_1103, %add3A_1105 : vector<16xi32>
      %gather3A_1107 = tpu.vector_load_idx %arg11[%add3A_1106, %min3A_775] : memref<256x128xf32, #tpu.memory_space<vmem>>[vector<16xi32>, vector<16xi32>], vector<16xf32>,
      %gather3A_1108 = tpu.vector_load_idx %arg12[%add3A_1106, %min3A_779] : memref<256x128xf32, #tpu.memory_space<vmem>>[vector<16xi32>, vector<16xi32>], vector<16xf32>,
      %add3A_1109 = arith.constant 1920 : i32
      %add3A_1110 = vector.broadcast %add3A_1109 : i32 to vector<16xi32>
      %add3A_1111 = arith.addi %add3A_1110, %min3A_791 : vector<16xi32>
      %gather3A_1112 = tpu.vector_load_idx %arg9[%add3A_1111] : memref<2048xf32, #tpu.memory_space<vmem>>[vector<16xi32>], vector<16xf32>,
      %add3A_1113 = arith.constant 1920 : i32
      %add3A_1114 = vector.broadcast %add3A_1113 : i32 to vector<16xi32>
      %add3A_1115 = arith.addi %add3A_1114, %min3A_800 : vector<16xi32>
      %gather3A_1116 = tpu.vector_load_idx %arg10[%add3A_1115] : memref<2048xf32, #tpu.memory_space<vmem>>[vector<16xi32>], vector<16xf32>,
      %select_n3A_1117 = arith.select %ge3A_781, %gather3A_1112, %gather3A_1107 : vector<16xi1>, vector<16xf32>
      %select_n3A_1118 = arith.select %ge3A_784, %gather3A_1116, %gather3A_1108 : vector<16xi1>, vector<16xf32>
      %mul3A_1119 = arith.mulf %select_n3A_1117, %select_n3A_1118 : vector<16xf32>
      %add3A_1120 = arith.addf %add3A_1100, %mul3A_1119 : vector<16xf32>
      %swap3A = arith.index_cast %mul3A_12 : i32 to index
      %swap3A_1121 = tpu.vector_load %arg13[%swap3A] {strides = array<i32>} : memref<512xf32, #tpu.memory_space<vmem>>, vector<16xf32>,
      tpu.vector_store %arg13[%swap3A], %add3A_1120 {strides = array<i32>} : memref<512xf32, #tpu.memory_space<vmem>>, vector<16xf32>,
    }
    %scan3A_9 = arith.constant 32 : i32
    "tpu.region"() ({
      %run_scoped3A = tpu.sem_alloc : memref<!tpu.dma_semaphore, #tpu.memory_space<semaphore_mem>>
      %dma_start3A = tpu.memref_slice %arg7[%mul3A_2] : memref<16384xf32, #tpu.memory_space<hbm>> -> memref<512xf32, #tpu.memory_space<hbm>>
      %dma_start3A_10 = tpu.memref_slice %arg7[%mul3A_2] : memref<16384xf32, #tpu.memory_space<hbm>> -> memref<512xf32, #tpu.memory_space<hbm>>
      tpu.enqueue_dma source(%arg13 : memref<512xf32, #tpu.memory_space<vmem>>) target(%dma_start3A_10 : memref<512xf32, #tpu.memory_space<hbm>>) target_semaphore(%run_scoped3A : memref<!tpu.dma_semaphore, #tpu.memory_space<semaphore_mem>>)
      %dma_wait3A = tpu.memref_slice %arg7[%mul3A_2] : memref<16384xf32, #tpu.memory_space<hbm>> -> memref<512xf32, #tpu.memory_space<hbm>>
      %dma_wait3A_11 = tpu.memref_slice %arg7[%mul3A_2] : memref<16384xf32, #tpu.memory_space<hbm>> -> memref<512xf32, #tpu.memory_space<hbm>>
      tpu.wait_dma2 semaphore(%run_scoped3A : memref<!tpu.dma_semaphore, #tpu.memory_space<semaphore_mem>>) src(%arg13 : memref<512xf32, #tpu.memory_space<vmem>>) dst(%dma_wait3A_11 : memref<512xf32, #tpu.memory_space<hbm>>)
      tpu.yield
    }) : () -> ()
    return
  }
}

</mosaic_0001>

<sc_bundles>
// kernel: _run.3.cloned.1.call-start
scs
__scs_entry_jumppad:
0x0: {  	(pc) =	sbr.rel $0x88, $3  }
0x1: {  	(tag) =	ssettag $0x0;
	lr =	simm.s32 $0x1  }
0x2: {  	[smem:$0x3F9C] =	sst lr;
	_ =	strace $0xD0000000  }
0x3: {  	_ = 	snop  }
0x4: {  	_ = 	snop  }
0x5: {  	_ = 	snop  }
0x6: {  	_ = 	snop  }
0x7: {  	_ = 	snop  }
__scs_overlays_trampoline_lowered:
0x8: {  	[smem:$0x3FAB] =	sst s0  }
0x9: {  	[smem:$0x3FAC] =	sst s1  }
0xa: {  	[smem:$0x3FAD] =	sst s2  }
0xb: {  	[smem:$0x3FAE] =	sst s3  }
0xc: {  	[smem:$0x3FAF] =	sst s4  }
0xd: {  	[smem:$0x3FB0] =	sst s5  }
0xe: {  	[smem:$0x3FB1] =	sst s6  }
0xf: {  	[smem:$0x3FB2] =	sst s7  }
0x10: {  	[smem:$0x3FB3] =	sst s8  }
0x11: {  	[smem:$0x3FB4] =	sst s9;
	s0 =	simm.s32 @!p0 $0x0  }
0x12: {  	s1 =	sld [smem:$0x3F9A];
	s0 =	simm.s32 @p0 $0x1  }
0x13: {  	[smem:$0x3FB5] =	sst s0;
	s0 =	simm.s32 @!p1 $0x0  }
0x14: {  	s2 =	sld [smem:$0x3F99];
	s0 =	simm.s32 @p1 $0x1  }
0x15: {  	[smem:$0x3FB6] =	sst s0;
	s0 =	simm.s32 @!p2 $0x0  }
0x16: {  	s3 =	sld [smem:$0x3FDB];
	s0 =	simm.s32 @p2 $0x1  }
0x17: {  	s4 =	simm.s32 $0x1BF5;
	[smem:$0x3FB8] =	sst s0  }
0x18: {  	s0 =	sld [smem:$0x3F9B];
	_ =	swait.ge [sflag:s4], $0x0  }
0x19: {  	s7 =	sld [smem:$0x3F9C]  }
0x1a: {  	s8 =	sadd.s32 $0xFFFFE003, lr  }
0x1b: {  	s9 =	sadd.s32 $0xFFFFFEF7, lr;
	s5 =	simm.s32 $0xFFFFFFFF;
	p2 =	slt.u32 s8, $0xFFFFF086  }
0x1c: {  	p1 =	slt.u32 s9, $0xF7A;
	s5 =	simm.s32 @!p2 $0x0  }
0x1d: {  	s5 =	simm.s32 @p1 $0x1;
	p0 =	seq.s32 s7, s2  }
0x1e: {  	s7 =	smul.u32 @!p0 $0xF7A, s2;
	p2 =	seq.s32 @!p0 s5, $0x0  }
0x1f: {  	s9 =	smul.u32 $0xF7A, s1;
	s8 =	simm.s32 @!p0 $0x1BF5;
	p2 =	por !p2, p0  }
0x20: {  	[sflag:s8] =	ssyncset.s32 @!p0 $0xFFFFF086;
	s6 =	sadd.s32 @!p0 s3, s7;
	s7 =	simm.s32 @!p0 $0x108  }
0x21: {  	s3 =	sadd.s32 s3, s9;
	s6 =	sadd.s32 @!p0 $0x88, s6;
	s7 =	simm.s32 @p2 $0x1082  }
0x22: {  	[simem:s7], [sflag:s8] =	dma.local @!p0 [hbm:s6], $0xF7A  }
0x23: {  	s9 =	sor.u32 $0xD0000000, s2;
	s6 =	simm.s32 $0x108;
	_ =	swait.ge @!p0 [sflag:s8], $0x0  }
0x24: {  	s3 =	sadd.s32 $0x88, s3;
	s6 =	simm.s32 @!p1 $0x1082;
	[sflag:s4] =	ssyncset.s32 $0xFFFFF086  }
0x25: {  	[simem:s6], [sflag:s4] =	dma.local [hbm:s3], $0xF7A  }
0x26: {  	[smem:$0x3F9C] =	sst s1;
	(tag) =	ssettag s2;
	_ =	strace s9  }
0x27: {  	s1 =	sld [smem:$0x3FAC]  }
0x28: {  	s2 =	sld [smem:$0x3FAD]  }
0x29: {  	s4 =	sld [smem:$0x3FAF]  }
0x2a: {  	p0 =	seq.s32 s5, $0x0;
	s5 =	sld [smem:$0x3FB0]  }
0x2b: {  	s6 =	sld [smem:$0x3FB1]  }
0x2c: {  	s7 =	sld [smem:$0x3FB2]  }
0x2d: {  	s3 =	simm.s32 $0x108;
	s8 =	sld [smem:$0x3FB3]  }
0x2e: {  	s3 =	simm.s32 @!p0 $0x1082;
	s9 =	sld [smem:$0x3FB4]  }
0x2f: {  	lr =	sadd.s32 s0, s3;
	s0 =	sld [smem:$0x3FAB]  }
0x30: {  	s3 =	sld [smem:$0x3FAE]  }
0x31: {  	[smem:$0x3FB7] =	sst s10  }
0x32: {  	s10 =	sld [smem:$0x3FB5];
	_ =	sdelay $0x3  }
0x33: {  	p0 =	seq.s32 s10, $0x1;
	s10 =	sld [smem:$0x3FB7];
	_ =	sdelay $0x3  }
0x34: {  	[smem:$0x3FB7] =	sst s10  }
0x35: {  	s10 =	sld [smem:$0x3FB6];
	_ =	sdelay $0x3  }
0x36: {  	p1 =	seq.s32 s10, $0x1;
	s10 =	sld [smem:$0x3FB7];
	_ =	sdelay $0x3  }
0x37: {  	[smem:$0x3FB7] =	sst s10  }
0x38: {  	s10 =	sld [smem:$0x3FB8]  }
0x39: {  	_ = 	snop;
	(pc) =	sbr.ind lr, $3  }
0x3a: {  	_ = 	snop  }
0x3b: {  	_ = 	snop  }
0x3c: {  	p2 =	seq.s32 s10, $0x1;
	s10 =	sld [smem:$0x3FB7]  }
0x3d: {  	_ =	shalt  }
0x3e: {  	_ =	shalt  }
0x3f: {  	_ =	shalt  }
0x40: {  	_ =	shalt  }
0x41: {  	_ =	shalt  }
0x42: {  	_ =	shalt  }
0x43: {  	_ =	shalt  }
0x44: {  	_ =	shalt  }
0x45: {  	_ =	shalt  }
0x46: {  	_ =	shalt  }
0x47: {  	_ =	shalt  }
0x48: {  	_ =	shalt  }
0x49: {  	_ =	shalt  }
0x4a: {  	_ =	shalt  }
0x4b: {  	_ =	shalt  }
0x4c: {  	_ =	shalt  }
0x4d: {  	_ =	shalt  }
0x4e: {  	_ =	shalt  }
0x4f: {  	_ =	shalt  }
0x50: {  	_ =	shalt  }
0x51: {  	_ =	shalt  }
0x52: {  	_ =	shalt  }
0x53: {  	_ =	shalt  }
0x54: {  	_ =	shalt  }
0x55: {  	_ =	shalt  }
0x56: {  	_ =	shalt  }
0x57: {  	_ =	shalt  }
0x58: {  	_ =	shalt  }
0x59: {  	_ =	shalt  }
0x5a: {  	_ =	shalt  }
0x5b: {  	_ =	shalt  }
0x5c: {  	_ =	shalt  }
0x5d: {  	_ =	shalt  }
0x5e: {  	_ =	shalt  }
0x5f: {  	_ =	shalt  }
0x60: {  	_ =	shalt  }
0x61: {  	_ =	shalt  }
0x62: {  	_ =	shalt  }
0x63: {  	_ =	shalt  }
0x64: {  	_ =	shalt  }
0x65: {  	_ =	shalt  }
0x66: {  	_ =	shalt  }
0x67: {  	_ =	shalt  }
0x68: {  	_ =	shalt  }
0x69: {  	_ =	shalt  }
0x6a: {  	_ =	shalt  }
0x6b: {  	_ =	shalt  }
0x6c: {  	_ =	shalt  }
0x6d: {  	_ =	shalt  }
0x6e: {  	_ =	shalt  }
0x6f: {  	_ =	shalt  }
0x70: {  	_ =	shalt  }
0x71: {  	_ =	shalt  }
0x72: {  	_ =	shalt  }
0x73: {  	_ =	shalt  }
0x74: {  	_ =	shalt  }
0x75: {  	_ =	shalt  }
0x76: {  	_ =	shalt  }
0x77: {  	_ =	shalt  }
0x78: {  	_ =	shalt  }
0x79: {  	_ =	shalt  }
0x7a: {  	_ =	shalt  }
0x7b: {  	_ =	shalt  }
0x7c: {  	_ =	shalt  }
0x7d: {  	_ =	shalt  }
0x7e: {  	_ =	shalt  }
0x7f: {  	_ =	shalt  }
0x80: {  	_ =	shalt  }
0x81: {  	_ =	shalt  }
0x82: {  	_ =	shalt  }
0x83: {  	_ =	shalt  }
0x84: {  	_ =	shalt  }
0x85: {  	_ =	shalt  }
0x86: {  	_ =	shalt  }
0x87: {  	_ =	shalt  }
.Lfunc_end0:
.L_simem_size_0:
called_computation_lowered:
.L_overlay_start_0:
0x88: {  	s2 =	sld [smem:$0x3FD9]  }
0x89: {  	s3 =	sld [smem:$0x3FFE];
	_ =	sdelay $0x1  }
0x8a: {  	s1 =	srdreg.scid  }
0x8b: {  	s0 =	sand.u32 $0x1, s1  }
0x8c: {  	s18 =	sshll.u32 s0, $0xA;
	s2 =	sadd.s32 s3, s2  }
0x8d: {  	s2 =	sadd.s32 s2, s18  }
0x8e: {  	[smem:$0x3FC3] =	sst s2  }
0x8f: {  	_ = 	snop  }
0x90: {  	s2 =	sld [smem:$0x3FC9]  }
0x91: {  	s19 =	sld [smem:$0x3FC8]  }
0x92: {  	s4 =	sld [smem:$0x3FC7]  }
0x93: {  	s5 =	sld [smem:$0x3FC6]  }
0x94: {  	s6 =	sld [smem:$0x3FC5]  }
0x95: {  	s7 =	sld [smem:$0x3FD0];
	(tm) =	ssettm $0x1  }
0x96: {  	s8 =	sld [smem:$0x3FFB];
	_ =	sdelay $0x3  }
0x97: {  	_ =	strace s8  }
0x98: {  	s8 =	sld [smem:$0x3FFC];
	_ =	sdelay $0x3  }
0x99: {  	_ =	strace s8  }
0x9a: {  	s8 =	sld [smem:$0x3FFD];
	_ =	sdelay $0x3  }
0x9b: {  	_ =	strace s8  }
0x9c: {  	_ =	strace $0x8FFFFFFF  }
0x9d: {  	s20 =	sld [smem:$0x3FDB];
	_ =	sdelay $0x1  }
0x9e: {  	s9 =	simm.s32 $_scs_section_size  }
0x9f: {  	s10 =	simm.s32 $_size__tile_overlayer_lowered;
	s11 =	simm.s32 $_tile_overlayer_lowered  }
0xa0: {  	s23 =	simm.s32 $0x1BFF;
	s22 =	sshll.u32 s11, $0x1;
	s8 =	sadd.s32 s9, s20  }
0xa1: {  	s12 =	simm.s32 $0x0;
	s21 =	sshll.u32 s10, $0x1;
	s10 =	sadd.s32 s22, s8  }
0xa2: {  	[timem:s12], [sflag:s23] =	dma.local [hbm:s10], s21  }
0xa3: {  	_ =	swait.ge [sflag:s23], s21  }
0xa4: {  	s9 =	ssub.s32 $0x0, s21;
	[sflag:s23] =	ssyncset.done $0x0  }
0xa5: {  	[sflag:s23] =	ssyncadd.s32 s9;
	_ =	sdelay $0x1  }
0xa6: {  	s24 =	simm.s32 $0x1B8B  }
0xa7: {  	_ =	swait.ge [sflag:s24], $0x1  }
0xa8: {  	[sflag:s24] =	ssyncset.done $0x0  }
0xa9: {  	s25 =	simm.s32 $0x1B8E;
	[sflag:s24] =	ssyncadd.s32 $0xFFFFFFFF  }
0xaa: {  	s26 =	simm.s32 $execute0_lowered;
	[smem:$0x3FD2] =	sst s25  }
0xab: {  	s9 =	sshll.u32 s26, $0x1;
	_ =	strace $0x80000046;
	[dreg:$0x1] =	wrdreg $0xFFFFFFFF  }
0xac: {  	s28 =	simm.s32 $_size_execute0_lowered;
	s8 =	sadd.s32 s8, s9;
	[dreg:$0x0] =	wrdreg $0x0  }
0xad: {  	s9 =	sshll.u32 s28, $0x1;
	[dreg:$0x2] =	wrdreg s8  }
0xae: {  	[dreg:$0x3] =	wrdreg s9  }
0xaf: {  	[dreg:$0x4] =	wrdreg $0xC0  }
0xb0: {  	_ =	task [dreg:s12], $0x5FFFF  }
0xb1: {  	[dreg:$0x1] =	wrdreg $0xFFFFFFFF  }
0xb2: {  	[dreg:$0x0] =	wrdreg $0x60  }
0xb3: {  	[dreg:$0x2] =	wrdreg s2  }
0xb4: {  	[dreg:$0x3] =	wrdreg s19  }
0xb5: {  	[dreg:$0x4] =	wrdreg s4  }
0xb6: {  	[dreg:$0x5] =	wrdreg s5  }
0xb7: {  	[dreg:$0x6] =	wrdreg s6  }
0xb8: {  	[dreg:$0x7] =	wrdreg s7  }
0xb9: {  	[dreg:$0x8] =	wrdreg $0x9  }
0xba: {  	_ =	task.clear_ibuf [dreg:s12], $0x9FFFF;
	_ =	strace $0x90000046  }
0xbb: {  	s29 =	simm.s32 $0x9;
	_ =	strace $0x80000048  }
0xbc: {  	_ =	swait.ge [sflag:s29], $0x1  }
0xbd: {  	[sflag:s29] =	ssyncadd.s32 $0xFFFFFFFF  }
0xbe: {  	_ =	strace $0x90000048  }
0xbf: {  	_ =	sfence  }
0xc0: {  	s30 =	sld [smem:$0x0];
	_ =	sdelay $0x2  }
0xc1: {  	s31 =	sshll.u32 s1, $0xD;
	s1 =	sshrl.u32 s1, $0x2  }
0xc2: {  	s3 =	sand.u32 $0x4000, s31;
	s1 =	sadd.s32 s1, s30  }
0xc3: {  	s0 =	sor.u32 s3, s0;
	s1 =	sshll.u32 s1, $0x11  }
0xc4: {  	s0 =	sor.u32 s1, s0  }
0xc5: {  	s0 =	sadd.s32 $0x8F2B, s0  }
0xc6: {  	[sflag:s0] =	ssyncadd.remote.s32 $0x1  }
0xc7: {  	_ =	sfence.sel $0xFFFF  }
0xc8: {  	[dreg:$0x0] =	wrdreg $0xFFFFFFFF;
	(pc) =	sbr.abs _section_cstart, $3  }
0xc9: {  	[dreg:$0x1] =	wrdreg $0xFFFFFFFF  }
0xca: {  	_ =	task.clear_ibuf [dreg:s12], $0x2FFFF;
	_ =	strace $0x9FFFFFFF  }
0xcb: {  	(tm) =	ssettm $0x7FFFFFFF  }
tec
execute0_lowered:
.L_overlay_start_1:
0x0: {  	(tag) =	ssettag $0x1  }
0x1: {  	s5 =	rddreg [dreg:$0x0]  }
0x2: {  	s0 =	rddreg [dreg:$0x1]  }
0x3: {  	s30 =	rddreg [dreg:$0x2]  }
0x4: {  	s1 =	rddreg [dreg:$0x3]  }
0x5: {  	s2 =	rddreg [dreg:$0x4]  }
0x6: {  	s6 =	rddreg [dreg:$0x5]  }
0x7: {  	[dreg:$0x7] =	wrdreg s0  }
0x8: {  	[dreg:$0x8] =	wrdreg s30  }
0x9: {  	s3 =	simm.s32 $0x0;
	s0 =	rddreg [dreg:$0x6]  }
0xa: {  	s4 =	simm.s32 $0x1C00;
	[smem:$0x7FF] =	sst s3  }
0xb: {  	s31 =	simm.s32 $0x9C00;
	_ =	strace $0x80000047;
	[dreg:$0x9] =	wrdreg s4  }
0xc: {  	s7 =	simm.s32 $0x2400;
	[dreg:$0xa] =	wrdreg s31  }
0xd: {  	s8 =	simm.s32 $0xA400;
	[dreg:$0xb] =	wrdreg s7  }
0xe: {  	s9 =	simm.s32 $0x2C00;
	[dreg:$0xc] =	wrdreg s8  }
0xf: {  	s10 =	simm.s32 $0xAC00;
	[dreg:$0xd] =	wrdreg s9  }
0x10: {  	s11 =	simm.s32 $0x3400;
	[dreg:$0xe] =	wrdreg s10  }
0x11: {  	s12 =	simm.s32 $0xB400;
	[dreg:$0xf] =	wrdreg s11  }
0x12: {  	s13 =	simm.s32 $0x3C00;
	[dreg:$0x10] =	wrdreg s12  }
0x13: {  	s14 =	simm.s32 $0xBC00;
	[dreg:$0x11] =	wrdreg s13  }
0x14: {  	s15 =	simm.s32 $0x4400;
	[dreg:$0x12] =	wrdreg s14  }
0x15: {  	s16 =	simm.s32 $0xC400;
	[dreg:$0x13] =	wrdreg s15  }
0x16: {  	s17 =	simm.s32 $0xCC00;
	[dreg:$0x14] =	wrdreg s16  }
0x17: {  	s18 =	simm.s32 $0x5400;
	[dreg:$0x16] =	wrdreg s17  }
0x18: {  	s19 =	simm.s32 $0xD400;
	[dreg:$0x17] =	wrdreg s18  }
0x19: {  	s20 =	simm.s32 $0x5C00;
	[dreg:$0x18] =	wrdreg s19  }
0x1a: {  	s21 =	simm.s32 $0xDC00;
	[dreg:$0x19] =	wrdreg s20  }
0x1b: {  	s23 =	simm.s32 $0x6400;
	[dreg:$0x1a] =	wrdreg s21  }
0x1c: {  	s24 =	simm.s32 $0xE400;
	[dreg:$0x1b] =	wrdreg s23  }
0x1d: {  	s25 =	simm.s32 $0x6C00;
	[dreg:$0x1c] =	wrdreg s24  }
0x1e: {  	s26 =	simm.s32 $0xEC00;
	[dreg:$0x1d] =	wrdreg s25  }
0x1f: {  	s28 =	simm.s32 $0x7400;
	s29 =	simm.s32 $0xF400;
	[dreg:$0x1e] =	wrdreg s26  }
0x20: {  	s30 =	simm.s32 $0x7C00;
	s7 =	srdreg.scid;
	[dreg:$0x1f] =	wrdreg s28  }
0x21: {  	s8 =	simm.s32 $0x4C00;
	s4 =	stileid.u32;
	[smem:$0x7F7] =	sst s29  }
0x22: {  	[smem:$0x7F8] =	sst s30;
	s31 =	simm.s32 $0xFC00;
	s11 =	simm.s32 $0x8400  }
0x23: {  	s12 =	simm.s32 $0x10400;
	s13 =	simm.s32 $0x8C00;
	s14 =	simm.s32 $0x10C00  }
0x24: {  	s15 =	simm.s32 $0x2;
	s16 =	simm.s32 $0x11400;
	[dreg:$0x15] =	wrdreg s8  }
0x25: {  	v0 =	vlaneseq.u32;
	s17 =	simm.s32 $0x0;
	s7 =	sand.u32 $0x1, s7;
	[smem:$0x7F9] =	sst s31  }
0x26: {  	v1 =	vmul.u32 $0x800, v0;
	s22 =	sshll.u32 s4, $0x1;
	s8 =	simm.s32 $0x3;
	[smem:$0x7FA] =	sst s11  }
0x27: {  	v0 =	vmul.u32 $0x2, v0;
	s11 =	simm.s32 $0x7A1400;
	[smem:$0x7FB] =	sst s12;
	s12 =	simm.s32 $0x1400  }
0x28: {  	v2 =	vor.u32 $0x80, v1;
	v3 =	vor.u32 $0x100, v1;
	v4 =	vor.u32 $0x180, v1;
	[smem:$0x7FC] =	sst s13;
	s13 =	simm.s32 $0x9400;
	s9 =	ssub.s32 $0x2, s7  }
0x29: {  	v5 =	vor.u32 $0x200, v1;
	v6 =	vor.u32 $0x280, v1;
	v7 =	vor.u32 $0x300, v1;
	[smem:$0x7FD] =	sst s14;
	s7 =	sor.u32 s7, s22;
	s10 =	sshrl.u32 s9, $0x1  }
0x2a: {  	v8 =	vor.u32 $0x380, v1;
	v12 =	vor.u32 $0x400, v1;
	v10 =	vor.u32 $0x480, v1;
	s9 =	ssub.s32 s9, s10;
	s10 =	sshll.u32 s7, $0x7;
	s7 =	sshll.u32 s7, $0x6  }
0x2b: {  	s14 =	simm.s32 $0x1;
	v11 =	vor.u32 $0x500, v1;
	v61 =	vor.u32 $0x580, v1;
	v13 =	vor.u32 $0x600, v1;
	[tilespmem:$0x1FFF0] =	vst v0;
	s5 =	sadd.s32 s5, s10;
	s6 =	sadd.s32 s6, s7  }
0x2c: {  	v14 =	vor.u32 $0x680, v1;
	v15 =	vor.u32 $0x700, v1;
	v16 =	vor.u32 $0x780, v1;
	[tilespmem:$0x1FFE0] =	vst v10;
	s7 =	smax.u32 s9, $0x1;
	s9 =	simm.s32 $0x400;
	s10 =	simm.s32 $0xC00  }
.LBB2_1:
0x2d: {  	[tilespmem:s3], [sflag:$0x3] =	stream.linear.gather [hbm4b:s5+s3], $0x400, $0x38;
	[tilespmem:$0x11600] =	vst v63  }
0x2e: {  	_ =	swait.ge [sflag:s8], $0x400  }
0x2f: {  	[sflag:s8] =	ssyncset.done $0x0  }
0x30: {  	[sflag:s8] =	ssyncadd.s32 $0xFFFFFC00  }
0x31: {  	[tilespmem:s9], [sflag:$0x3] =	stream.linear.gather [hbm4b:s1+s3], $0x800, $0x38;
	[tilespmem:$0x11600] =	vst v63  }
0x32: {  	_ =	swait.ge [sflag:s8], $0x800  }
0x33: {  	[sflag:s8] =	ssyncset.done $0x0  }
0x34: {  	[sflag:s8] =	ssyncadd.s32 $0xFFFFF800  }
0x35: {  	[tilespmem:s10], [sflag:$0x3] =	stream.linear.gather [hbm4b:s2+s3], $0x800, $0x38;
	[tilespmem:$0x11600] =	vst v63  }
0x36: {  	_ =	swait.ge [sflag:s8], $0x800  }
0x37: {  	[sflag:s8] =	ssyncset.done $0x0  }
0x38: {  	s18 =	simm.s32 $0x11400;
	s19 =	simm.s32 $0x0;
	[sflag:s8] =	ssyncadd.s32 $0xFFFFF800  }
.LBB2_2:
0x39: {  	_ =	sdelay $0x1  }
0x3a: {  	v17 =	vmov s19  }
0x3b: {  	v17 =	vshll.u32 v17, $0x1  }
0x3c: {  	v17 =	vor.u32 v0, v17;
	_ =	sdelay $0x1  }
0x3d: {  	v18 =	vor.u32 $0x1, v17;
	_ =	sdelay $0x2  }
0x3e: {  	v17 =	vld.idx.msk [tilespmem:v17+s3+$0x0], $0xffff;
	_ =	sdelay $0x1  }
0x3f: {  	v18 =	vld.idx.msk [tilespmem:v18+s3+$0x0], $0xffff;
	_ =	sdelay $0x2  }
0x40: {  	v19 =	vand.u32 $0xFFFFFF80, v17  }
0x41: {  	vm0 =	vlt.s32 v19, $0xF4180  }
0x42: {  	s20 =	rddreg [dreg:$0x7];
	v20 =	vand.u32 $0xFFFFFF80, v18;
	v19 =	vnsel vm0, $0xF4180, v19  }
0x43: {  	vm10 =	vlt.s32 v20, $0xF4180;
	v21 =	vadd.s32 s20, v19  }
0x44: {  	s21 =	rddreg [dreg:$0x8];
	v20 =	vnsel vm10, $0xF4180, v20;
	(v2sf) =	vpush v21, $0x0  }
0x45: {  	v22 =	vadd.s32 s21, v20  }
0x46: {  	(v2sf) =	vpush v22, $0x0;
	_ =	sdelay $0x1  }
0x47: {  	(v2sf) =	vpush v21, $0x1;
	_ =	sdelay $0x1  }
0x48: {  	(v2sf) =	vpush v22, $0x1;
	_ =	sdelay $0x1  }
0x49: {  	(v2sf) =	vpush v21, $0x2;
	_ =	sdelay $0x1  }
0x4a: {  	(v2sf) =	vpush v22, $0x2;
	_ =	sdelay $0x1  }
0x4b: {  	(v2sf) =	vpush v21, $0x3;
	_ =	sdelay $0x1  }
0x4c: {  	(v2sf) =	vpush v22, $0x3  }
0x4d: {  	s28 =	spop (v2sf)  }
0x4e: {  	(v2sf) =	vpush v21, $0x4;
	[tilespmem:s12], [sflag:$0x1] =	stream.strided.gather [hbm4b:s28+s9], $0x800, s11, s9, $0x38;
	[tilespmem:$0x11600] =	vst v63  }
0x4f: {  	s30 =	rddreg [dreg:$0x9];
	s29 =	spop (v2sf)  }
0x50: {  	(v2sf) =	vpush v22, $0x4;
	[tilespmem:s13], [sflag:$0x2] =	stream.strided.gather [hbm4b:s29+s9], $0x800, s11, s9, $0x38;
	[tilespmem:$0x11600] =	vst v63  }
0x51: {  	s22 =	rddreg [dreg:$0xa];
	s31 =	spop (v2sf)  }
0x52: {  	(v2sf) =	vpush v21, $0x5;
	[tilespmem:s30], [sflag:$0x1] =	stream.strided.gather [hbm4b:s31+s9], $0x800, s11, s9, $0x38;
	[tilespmem:$0x11600] =	vst v63  }
0x53: {  	s24 =	rddreg [dreg:$0xb];
	s23 =	spop (v2sf)  }
0x54: {  	(v2sf) =	vpush v22, $0x5;
	[tilespmem:s22], [sflag:$0x2] =	stream.strided.gather [hbm4b:s23+s9], $0x800, s11, s9, $0x38;
	[tilespmem:$0x11600] =	vst v63  }
0x55: {  	s26 =	rddreg [dreg:$0xc];
	s25 =	spop (v2sf)  }
0x56: {  	(v2sf) =	vpush v21, $0x6;
	[tilespmem:s24], [sflag:$0x1] =	stream.strided.gather [hbm4b:s25+s9], $0x800, s11, s9, $0x38;
	[tilespmem:$0x11600] =	vst v63  }
0x57: {  	s29 =	rddreg [dreg:$0xd];
	s28 =	spop (v2sf)  }
0x58: {  	(v2sf) =	vpush v22, $0x6;
	[tilespmem:s26], [sflag:$0x2] =	stream.strided.gather [hbm4b:s28+s9], $0x800, s11, s9, $0x38;
	[tilespmem:$0x11600] =	vst v63  }
0x59: {  	s31 =	rddreg [dreg:$0xe];
	s30 =	spop (v2sf)  }
0x5a: {  	(v2sf) =	vpush v21, $0x7;
	[tilespmem:s29], [sflag:$0x1] =	stream.strided.gather [hbm4b:s30+s9], $0x800, s11, s9, $0x38;
	[tilespmem:$0x11600] =	vst v63  }
0x5b: {  	s23 =	spop (v2sf);
	s24 =	rddreg [dreg:$0xf]  }
0x5c: {  	(v2sf) =	vpush v22, $0x7;
	[tilespmem:s31], [sflag:$0x2] =	stream.strided.gather [hbm4b:s23+s9], $0x800, s11, s9, $0x38;
	[tilespmem:$0x11600] =	vst v63  }
0x5d: {  	s26 =	rddreg [dreg:$0x10];
	s25 =	spop (v2sf)  }
0x5e: {  	(v2sf) =	vpush v21, $0x8;
	[tilespmem:s24], [sflag:$0x1] =	stream.strided.gather [hbm4b:s25+s9], $0x800, s11, s9, $0x38;
	[tilespmem:$0x11600] =	vst v63  }
0x5f: {  	s29 =	rddreg [dreg:$0x11];
	s28 =	spop (v2sf)  }
0x60: {  	(v2sf) =	vpush v22, $0x8;
	[tilespmem:s26], [sflag:$0x2] =	stream.strided.gather [hbm4b:s28+s9], $0x800, s11, s9, $0x38;
	[tilespmem:$0x11600] =	vst v63  }
0x61: {  	s31 =	rddreg [dreg:$0x12];
	s30 =	spop (v2sf)  }
0x62: {  	(v2sf) =	vpush v21, $0x9;
	[tilespmem:s29], [sflag:$0x1] =	stream.strided.gather [hbm4b:s30+s9], $0x800, s11, s9, $0x38;
	[tilespmem:$0x11600] =	vst v63  }
0x63: {  	s24 =	rddreg [dreg:$0x13];
	s23 =	spop (v2sf)  }
0x64: {  	(v2sf) =	vpush v22, $0x9;
	[tilespmem:s31], [sflag:$0x2] =	stream.strided.gather [hbm4b:s23+s9], $0x800, s11, s9, $0x38;
	[tilespmem:$0x11600] =	vst v63  }
0x65: {  	s25 =	spop (v2sf);
	s26 =	rddreg [dreg:$0x14]  }
0x66: {  	(v2sf) =	vpush v21, $0xA;
	[tilespmem:s24], [sflag:$0x1] =	stream.strided.gather [hbm4b:s25+s9], $0x800, s11, s9, $0x38;
	[tilespmem:$0x11600] =	vst v63  }
0x67: {  	s28 =	spop (v2sf);
	s29 =	rddreg [dreg:$0x15]  }
0x68: {  	(v2sf) =	vpush v22, $0xA;
	[tilespmem:s26], [sflag:$0x2] =	stream.strided.gather [hbm4b:s28+s9], $0x800, s11, s9, $0x38;
	[tilespmem:$0x11600] =	vst v63  }
0x69: {  	s30 =	spop (v2sf);
	s31 =	rddreg [dreg:$0x16]  }
0x6a: {  	(v2sf) =	vpush v21, $0xB;
	[tilespmem:s29], [sflag:$0x1] =	stream.strided.gather [hbm4b:s30+s9], $0x800, s11, s9, $0x38;
	[tilespmem:$0x11600] =	vst v63  }
0x6b: {  	s23 =	spop (v2sf);
	s24 =	rddreg [dreg:$0x17]  }
0x6c: {  	(v2sf) =	vpush v22, $0xB;
	[tilespmem:s31], [sflag:$0x2] =	stream.strided.gather [hbm4b:s23+s9], $0x800, s11, s9, $0x38;
	[tilespmem:$0x11600] =	vst v63  }
0x6d: {  	s26 =	rddreg [dreg:$0x18];
	s25 =	spop (v2sf)  }
0x6e: {  	(v2sf) =	vpush v21, $0xC;
	[tilespmem:s24], [sflag:$0x1] =	stream.strided.gather [hbm4b:s25+s9], $0x800, s11, s9, $0x38;
	[tilespmem:$0x11600] =	vst v63  }
0x6f: {  	s29 =	rddreg [dreg:$0x19];
	s28 =	spop (v2sf)  }
0x70: {  	(v2sf) =	vpush v22, $0xC;
	[tilespmem:s26], [sflag:$0x2] =	stream.strided.gather [hbm4b:s28+s9], $0x800, s11, s9, $0x38;
	[tilespmem:$0x11600] =	vst v63  }
0x71: {  	s31 =	rddreg [dreg:$0x1a];
	s30 =	spop (v2sf)  }
0x72: {  	(v2sf) =	vpush v21, $0xD;
	[tilespmem:s29], [sflag:$0x1] =	stream.strided.gather [hbm4b:s30+s9], $0x800, s11, s9, $0x38;
	[tilespmem:$0x11600] =	vst v63  }
0x73: {  	s23 =	spop (v2sf);
	s24 =	rddreg [dreg:$0x1b]  }
0x74: {  	(v2sf) =	vpush v22, $0xD;
	[tilespmem:s31], [sflag:$0x2] =	stream.strided.gather [hbm4b:s23+s9], $0x800, s11, s9, $0x38;
	[tilespmem:$0x11600] =	vst v63  }
0x75: {  	s25 =	spop (v2sf);
	s26 =	rddreg [dreg:$0x1c]  }
0x76: {  	(v2sf) =	vpush v21, $0xE;
	[tilespmem:s24], [sflag:$0x1] =	stream.strided.gather [hbm4b:s25+s9], $0x800, s11, s9, $0x38;
	[tilespmem:$0x11600] =	vst v63  }
0x77: {  	s28 =	spop (v2sf);
	s29 =	rddreg [dreg:$0x1d]  }
0x78: {  	(v2sf) =	vpush v22, $0xE;
	[tilespmem:s26], [sflag:$0x2] =	stream.strided.gather [hbm4b:s28+s9], $0x800, s11, s9, $0x38;
	[tilespmem:$0x11600] =	vst v63  }
0x79: {  	s30 =	spop (v2sf);
	s31 =	rddreg [dreg:$0x1e]  }
0x7a: {  	(v2sf) =	vpush v21, $0xF;
	[tilespmem:s29], [sflag:$0x1] =	stream.strided.gather [hbm4b:s30+s9], $0x800, s11, s9, $0x38;
	[tilespmem:$0x11600] =	vst v63  }
0x7b: {  	s23 =	spop (v2sf);
	s24 =	rddreg [dreg:$0x1f]  }
0x7c: {  	(v2sf) =	vpush v22, $0xF;
	[tilespmem:s31], [sflag:$0x2] =	stream.strided.gather [hbm4b:s23+s9], $0x800, s11, s9, $0x38;
	[tilespmem:$0x11600] =	vst v63  }
0x7d: {  	s26 =	sld [smem:$0x7F7];
	s25 =	spop (v2sf)  }
0x7e: {  	[tilespmem:s24], [sflag:$0x1] =	stream.strided.gather [hbm4b:s25+s9], $0x800, s11, s9, $0x38;
	[tilespmem:$0x11600] =	vst v63  }
0x7f: {  	s29 =	sld [smem:$0x7F8];
	s28 =	spop (v2sf)  }
0x80: {  	[tilespmem:s26], [sflag:$0x2] =	stream.strided.gather [hbm4b:s28+s9], $0x800, s11, s9, $0x38;
	[tilespmem:$0x11600] =	vst v63  }
0x81: {  	s30 =	spop (v2sf);
	s31 =	sld [smem:$0x7F9]  }
0x82: {  	[tilespmem:s29], [sflag:$0x1] =	stream.strided.gather [hbm4b:s30+s9], $0x800, s11, s9, $0x38;
	[tilespmem:$0x11600] =	vst v63  }
0x83: {  	s23 =	sld [smem:$0x7FA];
	s21 =	spop (v2sf)  }
0x84: {  	[tilespmem:s31], [sflag:$0x2] =	stream.strided.gather [hbm4b:s21+s9], $0x800, s11, s9, $0x38;
	[tilespmem:$0x11600] =	vst v63  }
0x85: {  	s24 =	spop (v2sf);
	s25 =	sld [smem:$0x7FB]  }
0x86: {  	[tilespmem:s23], [sflag:$0x1] =	stream.strided.gather [hbm4b:s24+s9], $0x800, s11, s9, $0x38;
	[tilespmem:$0x11600] =	vst v63  }
0x87: {  	s26 =	spop (v2sf);
	s28 =	sld [smem:$0x7FC]  }
0x88: {  	[tilespmem:s25], [sflag:$0x2] =	stream.strided.gather [hbm4b:s26+s9], $0x800, s11, s9, $0x38;
	[tilespmem:$0x11600] =	vst v63  }
0x89: {  	s29 =	spop (v2sf);
	s30 =	sld [smem:$0x7FD]  }
0x8a: {  	[tilespmem:s28], [sflag:$0x1] =	stream.strided.gather [hbm4b:s29+s9], $0x800, s11, s9, $0x38;
	[tilespmem:$0x11600] =	vst v63  }
0x8b: {  	s31 =	spop (v2sf)  }
0x8c: {  	[tilespmem:s30], [sflag:$0x2] =	stream.strided.gather [hbm4b:s31+s9], $0x800, s11, s9, $0x38;
	[tilespmem:$0x11600] =	vst v63  }
0x8d: {  	_ =	swait.ge [sflag:s14], $0x800  }
0x8e: {  	[sflag:s14] =	ssyncset.done $0x0  }
0x8f: {  	[sflag:s14] =	ssyncadd.s32 $0xFFFFF800  }
0x90: {  	_ =	swait.ge [sflag:s15], $0x800  }
0x91: {  	[sflag:s15] =	ssyncset.done $0x0  }
0x92: {  	[sflag:s15] =	ssyncadd.s32 $0xFFFFF800  }
0x93: {  	_ =	swait.ge [sflag:s14], $0x800  }
0x94: {  	[sflag:s14] =	ssyncset.done $0x0  }
0x95: {  	[sflag:s14] =	ssyncadd.s32 $0xFFFFF800  }
0x96: {  	_ =	swait.ge [sflag:s15], $0x800  }
0x97: {  	[sflag:s15] =	ssyncset.done $0x0  }
0x98: {  	[sflag:s15] =	ssyncadd.s32 $0xFFFFF800  }
0x99: {  	_ =	swait.ge [sflag:s14], $0x800  }
0x9a: {  	[sflag:s14] =	ssyncset.done $0x0  }
0x9b: {  	[sflag:s14] =	ssyncadd.s32 $0xFFFFF800  }
0x9c: {  	_ =	swait.ge [sflag:s15], $0x800  }
0x9d: {  	[sflag:s15] =	ssyncset.done $0x0  }
0x9e: {  	[sflag:s15] =	ssyncadd.s32 $0xFFFFF800  }
0x9f: {  	_ =	swait.ge [sflag:s14], $0x800  }
0xa0: {  	[sflag:s14] =	ssyncset.done $0x0  }
0xa1: {  	[sflag:s14] =	ssyncadd.s32 $0xFFFFF800  }
0xa2: {  	_ =	swait.ge [sflag:s15], $0x800  }
0xa3: {  	[sflag:s15] =	ssyncset.done $0x0  }
0xa4: {  	[sflag:s15] =	ssyncadd.s32 $0xFFFFF800  }
0xa5: {  	_ =	swait.ge [sflag:s14], $0x800  }
0xa6: {  	[sflag:s14] =	ssyncset.done $0x0  }
0xa7: {  	[sflag:s14] =	ssyncadd.s32 $0xFFFFF800  }
0xa8: {  	_ =	swait.ge [sflag:s15], $0x800  }
0xa9: {  	[sflag:s15] =	ssyncset.done $0x0  }
0xaa: {  	[sflag:s15] =	ssyncadd.s32 $0xFFFFF800  }
0xab: {  	_ =	swait.ge [sflag:s14], $0x800  }
0xac: {  	[sflag:s14] =	ssyncset.done $0x0  }
0xad: {  	[sflag:s14] =	ssyncadd.s32 $0xFFFFF800  }
0xae: {  	_ =	swait.ge [sflag:s15], $0x800  }
0xaf: {  	[sflag:s15] =	ssyncset.done $0x0  }
0xb0: {  	[sflag:s15] =	ssyncadd.s32 $0xFFFFF800  }
0xb1: {  	_ =	swait.ge [sflag:s14], $0x800  }
0xb2: {  	[sflag:s14] =	ssyncset.done $0x0  }
0xb3: {  	[sflag:s14] =	ssyncadd.s32 $0xFFFFF800  }
0xb4: {  	_ =	swait.ge [sflag:s15], $0x800  }
0xb5: {  	[sflag:s15] =	ssyncset.done $0x0  }
0xb6: {  	[sflag:s15] =	ssyncadd.s32 $0xFFFFF800  }
0xb7: {  	_ =	swait.ge [sflag:s14], $0x800  }
0xb8: {  	[sflag:s14] =	ssyncset.done $0x0  }
0xb9: {  	[sflag:s14] =	ssyncadd.s32 $0xFFFFF800  }
0xba: {  	_ =	swait.ge [sflag:s15], $0x800  }
0xbb: {  	[sflag:s15] =	ssyncset.done $0x0  }
0xbc: {  	[sflag:s15] =	ssyncadd.s32 $0xFFFFF800  }
0xbd: {  	_ =	swait.ge [sflag:s14], $0x800  }
0xbe: {  	[sflag:s14] =	ssyncset.done $0x0  }
0xbf: {  	[sflag:s14] =	ssyncadd.s32 $0xFFFFF800  }
0xc0: {  	_ =	swait.ge [sflag:s15], $0x800  }
0xc1: {  	[sflag:s15] =	ssyncset.done $0x0  }
0xc2: {  	[sflag:s15] =	ssyncadd.s32 $0xFFFFF800  }
0xc3: {  	_ =	swait.ge [sflag:s14], $0x800  }
0xc4: {  	[sflag:s14] =	ssyncset.done $0x0  }
0xc5: {  	[sflag:s14] =	ssyncadd.s32 $0xFFFFF800  }
0xc6: {  	_ =	swait.ge [sflag:s15], $0x800  }
0xc7: {  	[sflag:s15] =	ssyncset.done $0x0  }
0xc8: {  	[sflag:s15] =	ssyncadd.s32 $0xFFFFF800  }
0xc9: {  	_ =	swait.ge [sflag:s14], $0x800  }
0xca: {  	[sflag:s14] =	ssyncset.done $0x0  }
0xcb: {  	[sflag:s14] =	ssyncadd.s32 $0xFFFFF800  }
0xcc: {  	_ =	swait.ge [sflag:s15], $0x800  }
0xcd: {  	[sflag:s15] =	ssyncset.done $0x0  }
0xce: {  	[sflag:s15] =	ssyncadd.s32 $0xFFFFF800  }
0xcf: {  	_ =	swait.ge [sflag:s14], $0x800  }
0xd0: {  	[sflag:s14] =	ssyncset.done $0x0  }
0xd1: {  	[sflag:s14] =	ssyncadd.s32 $0xFFFFF800  }
0xd2: {  	_ =	swait.ge [sflag:s15], $0x800  }
0xd3: {  	[sflag:s15] =	ssyncset.done $0x0  }
0xd4: {  	[sflag:s15] =	ssyncadd.s32 $0xFFFFF800  }
0xd5: {  	_ =	swait.ge [sflag:s14], $0x800  }
0xd6: {  	[sflag:s14] =	ssyncset.done $0x0  }
0xd7: {  	[sflag:s14] =	ssyncadd.s32 $0xFFFFF800  }
0xd8: {  	_ =	swait.ge [sflag:s15], $0x800  }
0xd9: {  	[sflag:s15] =	ssyncset.done $0x0  }
0xda: {  	[sflag:s15] =	ssyncadd.s32 $0xFFFFF800  }
0xdb: {  	_ =	swait.ge [sflag:s14], $0x800  }
0xdc: {  	[sflag:s14] =	ssyncset.done $0x0  }
0xdd: {  	[sflag:s14] =	ssyncadd.s32 $0xFFFFF800  }
0xde: {  	_ =	swait.ge [sflag:s15], $0x800  }
0xdf: {  	[sflag:s15] =	ssyncset.done $0x0  }
0xe0: {  	[sflag:s15] =	ssyncadd.s32 $0xFFFFF800  }
0xe1: {  	_ =	swait.ge [sflag:s14], $0x800  }
0xe2: {  	[sflag:s14] =	ssyncset.done $0x0  }
0xe3: {  	[sflag:s14] =	ssyncadd.s32 $0xFFFFF800  }
0xe4: {  	_ =	swait.ge [sflag:s15], $0x800  }
0xe5: {  	v19 =	vsub.s32 v17, v19;
	[sflag:s15] =	ssyncset.done $0x0  }
0xe6: {  	v59 =	vadd.s32 $0xFFF0BE00, v17;
	v58 =	vsub.s32 v18, v20;
	vm11 =	vlt.s32 v19, $0x7F;
	[sflag:s15] =	ssyncadd.s32 $0xFFFFF800  }
0xe7: {  	vm12 =	vgt.s32 v59, $0x0;
	vm1 =	vlt.s32 v58, $0x7F;
	v20 =	vnsel vm11, $0x7F, v19;
	_ =	swait.ge [sflag:s14], $0x800  }
0xe8: {  	v23 =	vadd.s32 $0xFFF0BE00, v18;
	v19 =	vnsel vm1, $0x7F, v58;
	v24 =	vadd.s32 v1, v20;
	[sflag:s14] =	ssyncset.done $0x0  }
0xe9: {  	vm13 =	vgt.s32 v23, $0x0;
	v25 =	vadd.s32 v1, v19;
	v21 =	vnsel vm12, $0x0, v59;
	[sflag:s14] =	ssyncadd.s32 $0xFFFFF800  }
0xea: {  	v60 =	vnsel vm13, $0x0, v23;
	v22 =	vmin.u32 v21, $0x7F;
	_ =	swait.ge [sflag:s15], $0x800  }
0xeb: {  	v21 =	vmin.u32 v60, $0x7F;
	[sflag:s15] =	ssyncset.done $0x0  }
0xec: {  	v62 =	vadd.s32 v2, v20;
	[sflag:s15] =	ssyncadd.s32 $0xFFFFF800  }
0xed: {  	v26 =	vadd.s32 v2, v19;
	v24 =	vld.idx.msk [tilespmem:v24+s12+$0x0], $0xffff  }
0xee: {  	v27 =	vor.u32 $0x80, v22;
	v25 =	vld.idx.msk [tilespmem:v25+s13+$0x0], $0xffff  }
0xef: {  	v29 =	vor.u32 $0x80, v21;
	v28 =	vld.idx.msk [tilespmem:v22+s9+$0x0], $0xffff  }
0xf0: {  	v31 =	vadd.s32 v3, v20;
	v30 =	vld.idx.msk [tilespmem:v21+s10+$0x0], $0xffff  }
0xf1: {  	v32 =	vadd.s32 v3, v19;
	v23 =	vld.idx.msk [tilespmem:v62+s12+$0x0], $0xffff  }
0xf2: {  	v33 =	vor.u32 $0x100, v22;
	v26 =	vld.idx.msk [tilespmem:v26+s13+$0x0], $0xffff  }
0xf3: {  	v34 =	vor.u32 $0x100, v21;
	v27 =	vld.idx.msk [tilespmem:v27+s9+$0x0], $0xffff  }
0xf4: {  	v35 =	vadd.s32 v4, v20;
	v29 =	vld.idx.msk [tilespmem:v29+s10+$0x0], $0xffff  }
0xf5: {  	v36 =	vadd.s32 v4, v19;
	v31 =	vld.idx.msk [tilespmem:v31+s12+$0x0], $0xffff  }
0xf6: {  	v37 =	vor.u32 $0x180, v22;
	v32 =	vld.idx.msk [tilespmem:v32+s13+$0x0], $0xffff  }
0xf7: {  	v38 =	vor.u32 $0x180, v21;
	v33 =	vld.idx.msk [tilespmem:v33+s9+$0x0], $0xffff  }
0xf8: {  	v39 =	vadd.s32 v5, v20;
	v34 =	vld.idx.msk [tilespmem:v34+s10+$0x0], $0xffff  }
0xf9: {  	v40 =	vadd.s32 v5, v19;
	v35 =	vld.idx.msk [tilespmem:v35+s12+$0x0], $0xffff  }
0xfa: {  	v41 =	vor.u32 $0x200, v22;
	v36 =	vld.idx.msk [tilespmem:v36+s13+$0x0], $0xffff  }
0xfb: {  	v42 =	vor.u32 $0x200, v21;
	v37 =	vld.idx.msk [tilespmem:v37+s9+$0x0], $0xffff  }
0xfc: {  	v43 =	vadd.s32 v6, v20;
	v38 =	vld.idx.msk [tilespmem:v38+s10+$0x0], $0xffff  }
0xfd: {  	v44 =	vadd.s32 v6, v19;
	v39 =	vld.idx.msk [tilespmem:v39+s12+$0x0], $0xffff  }
0xfe: {  	v45 =	vor.u32 $0x280, v22;
	v40 =	vld.idx.msk [tilespmem:v40+s13+$0x0], $0xffff  }
0xff: {  	v46 =	vor.u32 $0x280, v21;
	v41 =	vld.idx.msk [tilespmem:v41+s9+$0x0], $0xffff  }
0x100: {  	v47 =	vadd.s32 v7, v20;
	v42 =	vld.idx.msk [tilespmem:v42+s10+$0x0], $0xffff  }
0x101: {  	v48 =	vadd.s32 v7, v19;
	v43 =	vld.idx.msk [tilespmem:v43+s12+$0x0], $0xffff  }
0x102: {  	v49 =	vor.u32 $0x300, v22;
	v44 =	vld.idx.msk [tilespmem:v44+s13+$0x0], $0xffff  }
0x103: {  	v50 =	vor.u32 $0x300, v21;
	v45 =	vld.idx.msk [tilespmem:v45+s9+$0x0], $0xffff  }
0x104: {  	v51 =	vadd.s32 v8, v20;
	v46 =	vld.idx.msk [tilespmem:v46+s10+$0x0], $0xffff  }
0x105: {  	v52 =	vadd.s32 v8, v19;
	v47 =	vld.idx.msk [tilespmem:v47+s12+$0x0], $0xffff  }
0x106: {  	v53 =	vor.u32 $0x380, v22;
	v48 =	vld.idx.msk [tilespmem:v48+s13+$0x0], $0xffff  }
0x107: {  	v54 =	vor.u32 $0x380, v21;
	v49 =	vld.idx.msk [tilespmem:v49+s9+$0x0], $0xffff  }
0x108: {  	v55 =	vadd.s32 v12, v20;
	v50 =	vld.idx.msk [tilespmem:v50+s10+$0x0], $0xffff  }
0x109: {  	v56 =	vadd.s32 v12, v19;
	v51 =	vld.idx.msk [tilespmem:v51+s12+$0x0], $0xffff  }
0x10a: {  	v57 =	vor.u32 $0x400, v22;
	v52 =	vld.idx.msk [tilespmem:v52+s13+$0x0], $0xffff  }
0x10b: {  	v58 =	vor.u32 $0x400, v21;
	v53 =	vld.idx.msk [tilespmem:v53+s9+$0x0], $0xffff  }
0x10c: {  	v59 =	vadd.s32 v10, v20;
	v54 =	vld.idx.msk [tilespmem:v54+s10+$0x0], $0xffff  }
0x10d: {  	v60 =	vadd.s32 v10, v19;
	v55 =	vld.idx.msk [tilespmem:v55+s12+$0x0], $0xffff  }
0x10e: {  	v9 =	vmovc v7;
	v7 =	vmovc v5;
	v5 =	vmov v3;
	v3 =	vmov v1;
	v1 =	vadd.s32 v11, v19;
	v56 =	vld.idx.msk [tilespmem:v56+s13+$0x0], $0xffff  }
0x10f: {  	v63 =	vadd.s32 v11, v20;
	v57 =	vld.idx.msk [tilespmem:v57+s9+$0x0], $0xffff  }
0x110: {  	v0 =	vmovc v16;
	v16 =	vmovc v15;
	v15 =	vmov v14;
	vm15 =	vgt.s32 v18, $0xF41FF;
	v18 =	vor.u32 $0x500, v22;
	v58 =	vld.idx.msk [tilespmem:v58+s10+$0x0], $0xffff  }
0x111: {  	v14 =	vmovc v13;
	v13 =	vmovc v61;
	vm14 =	vgt.s32 v17, $0xF41FF;
	v61 =	vor.u32 $0x480, v22;
	v62 =	vor.u32 $0x480, v21;
	v59 =	vld.idx.msk [tilespmem:v59+s12+$0x0], $0xffff  }
0x112: {  	v17 =	vld.idx.msk [tilespmem:v60+s13+$0x0], $0xffff;
	v24 =	vsel vm14, v28, v24;
	v25 =	vsel vm15, v30, v25;
	v30 =	vor.u32 $0x500, v21  }
0x113: {  	v1 =	vld.idx.msk [tilespmem:v1+s13+$0x0], $0xffff;
	v23 =	vsel vm14, v27, v23;
	v26 =	vsel vm15, v29, v26;
	v31 =	vsel vm14, v33, v31  }
0x114: {  	v27 =	vld.idx.msk [tilespmem:v63+s12+$0x0], $0xffff;
	v33 =	vor.u32 $0x580, v21;
	v63 =	vsel vm14, v37, v35;
	v24 =	vmul.f32 v25, v24  }
0x115: {  	v18 =	vld.idx.msk [tilespmem:v18+s9+$0x0], $0xffff;
	v37 =	vor.u32 $0x680, v22;
	v47 =	vsel vm14, v49, v47;
	v49 =	vsel vm15, v50, v48  }
0x116: {  	v28 =	vld.idx.msk [tilespmem:v61+s9+$0x0], $0xffff;
	v61 =	vmovc v13;
	v48 =	vor.u32 $0x700, v22;
	v23 =	vmul.f32 v26, v23;
	v24 =	vadd.f32 $0.0e+00, v24  }
0x117: {  	v32 =	vsel vm15, v34, v32;
	v41 =	vsel vm14, v41, v39;
	v25 =	vld.idx.msk [tilespmem:v62+s10+$0x0], $0xffff;
	v60 =	vadd.s32 v61, v20  }
0x118: {  	v29 =	vadd.s32 v61, v19;
	v23 =	vadd.f32 v23, v24;
	v24 =	vmul.f32 v32, v31;
	v30 =	vld.idx.msk [tilespmem:v30+s10+$0x0], $0xffff  }
0x119: {  	v13 =	vmovc v14;
	v42 =	vsel vm15, v42, v40;
	v26 =	vor.u32 $0x580, v22;
	v62 =	vsel vm15, v38, v36;
	v33 =	vld.idx.msk [tilespmem:v33+s10+$0x0], $0xffff  }
0x11a: {  	v36 =	vadd.s32 v13, v19;
	v63 =	vmul.f32 v62, v63;
	v37 =	vld.idx.msk [tilespmem:v37+s9+$0x0], $0xffff;
	v23 =	vadd.f32 v24, v23  }
0x11b: {  	v14 =	vmovc v15;
	v38 =	vor.u32 $0x600, v21;
	v50 =	vmul.f32 v49, v47;
	v49 =	vsel vm14, v57, v55;
	v55 =	vld.idx.msk [tilespmem:v48+s9+$0x0], $0xffff  }
0x11c: {  	v40 =	vadd.s32 v14, v19;
	v35 =	vld.idx.msk [tilespmem:v60+s12+$0x0], $0xffff;
	v60 =	vmul.f32 v42, v41;
	v23 =	vadd.f32 v63, v23  }
0x11d: {  	v62 =	vadd.s32 v14, v20;
	v29 =	vld.idx.msk [tilespmem:v29+s13+$0x0], $0xffff;
	v63 =	vsel vm14, v45, v43;
	v45 =	vsel vm15, v46, v44  }
0x11e: {  	v31 =	vadd.s32 v13, v20;
	v26 =	vld.idx.msk [tilespmem:v26+s9+$0x0], $0xffff;
	v46 =	vmul.f32 v45, v63;
	v23 =	vadd.f32 v60, v23  }
0x11f: {  	v15 =	vmov v16;
	v32 =	vor.u32 $0x600, v22;
	v36 =	vld.idx.msk [tilespmem:v36+s13+$0x0], $0xffff  }
0x120: {  	v39 =	vadd.s32 v15, v20;
	v20 =	vadd.s32 v0, v20;
	v38 =	vld.idx.msk [tilespmem:v38+s10+$0x0], $0xffff;
	v23 =	vadd.f32 v46, v23  }
0x121: {  	v53 =	vsel vm14, v53, v51;
	v22 =	vor.u32 $0x780, v22;
	v40 =	vld.idx.msk [tilespmem:v40+s13+$0x0], $0xffff;
	v60 =	vsel vm15, v54, v52  }
0x122: {  	v42 =	vor.u32 $0x680, v21;
	v34 =	vld.idx.msk [tilespmem:v62+s12+$0x0], $0xffff;
	v63 =	vmul.f32 v60, v53;
	v23 =	vadd.f32 v50, v23  }
0x123: {  	v51 =	vor.u32 $0x700, v21;
	v31 =	vld.idx.msk [tilespmem:v31+s12+$0x0], $0xffff;
	v50 =	vsel vm15, v58, v56  }
0x124: {  	v32 =	vld.idx.msk [tilespmem:v32+s9+$0x0], $0xffff;
	v52 =	vmul.f32 v50, v49;
	v23 =	vadd.f32 v63, v23  }
0x125: {  	v28 =	vsel vm14, v28, v59;
	v17 =	vsel vm15, v25, v17;
	v62 =	vadd.s32 v15, v19;
	v20 =	vld.idx.msk [tilespmem:v20+s12+$0x0], $0xffff  }
0x126: {  	v21 =	vor.u32 $0x780, v21;
	v17 =	vmul.f32 v17, v28;
	v22 =	vld.idx.msk [tilespmem:v22+s9+$0x0], $0xffff;
	v23 =	vadd.f32 v52, v23  }
0x127: {  	v18 =	vsel vm14, v18, v27;
	v19 =	vadd.s32 v0, v19;
	v1 =	vsel vm15, v30, v1;
	v42 =	vld.idx.msk [tilespmem:v42+s10+$0x0], $0xffff  }
0x128: {  	v1 =	vmul.f32 v1, v18;
	v18 =	vld.idx.msk [tilespmem:v51+s10+$0x0], $0xffff;
	v17 =	vadd.f32 v17, v23  }
0x129: {  	v57 =	vsel vm15, v33, v29;
	v53 =	vld.idx.msk [tilespmem:v39+s12+$0x0], $0xffff;
	v56 =	vsel vm14, v26, v35  }
0x12a: {  	v54 =	vld.idx.msk [tilespmem:v62+s13+$0x0], $0xffff;
	v1 =	vadd.f32 v1, v17;
	v17 =	vmul.f32 v57, v56  }
0x12b: {  	v59 =	vsel vm15, v38, v36;
	v21 =	vld.idx.msk [tilespmem:v21+s10+$0x0], $0xffff;
	v58 =	vsel vm14, v32, v31  }
0x12c: {  	v19 =	vld.idx.msk [tilespmem:v19+s13+$0x0], $0xffff;
	v1 =	vadd.f32 v17, v1;
	v17 =	vmul.f32 v59, v58  }
0x12d: {  	v60 =	vsel vm14, v37, v34;
	v62 =	vsel vm15, v42, v40  }
0x12e: {  	v1 =	vadd.f32 v17, v1;
	v17 =	vmul.f32 v62, v60  }
0x12f: {  	v63 =	vsel vm14, v55, v53;
	v18 =	vsel vm15, v18, v54  }
0x130: {  	v1 =	vadd.f32 v17, v1;
	v17 =	vmul.f32 v18, v63  }
0x131: {  	v19 =	vsel vm15, v21, v19;
	v18 =	vsel vm14, v22, v20  }
0x132: {  	v1 =	vadd.f32 v17, v1;
	v17 =	vmul.f32 v19, v18  }
0x133: {  	p0 =	sne.s32 s19, $0x1F0  }
.Ltmp0:
0x134: {  	v10 =	vmov v8;
	v8 =	vmov v6;
	v1 =	vadd.f32 v17, v1;
	(pc) =	sbr.rel @p0 .LBB2_2-.Ltmp0, $3  }
0x135: {  	_ =	sdelay $0x1  }
0x136: {  	v6 =	vmov v8;
	v8 =	vmov v10;
	v10 =	vld [tilespmem:$0x1FFE0]  }
0x137: {  	s19 =	sadd.s32 $0x10, s19;
	v16 =	vmovc v0;
	v0 =	vld [tilespmem:$0x1FFF0];
	[tilespmem:s18+$0x0] =	vst v1;
	s18 =	sadd.s32 $0x10, s18;
	v1 =	vmovc v3;
	v3 =	vmov v5;
	v5 =	vmov v7;
	v7 =	vmov v9  }
0x138: {  	s17 =	sadd.s32 $0x1, s17  }
0x139: {  	p0 =	sne.s32 s17, s7  }
.Ltmp1:
0x13a: {  	_ = 	snop;
	(pc) =	sbr.rel @p0 .LBB2_1-.Ltmp1, $4  }
0x13b: {  	[hbm4b:s6+s3] =	stream.linear.scatter [tilespmem:s16], [sflag:$0x3], $0x200, $0x38;
	[tilespmem:$0x11600] =	vst v63  }
0x13c: {  	_ =	swait.ge [sflag:s8], $0x200  }
0x13d: {  	[sflag:s8] =	ssyncset.done $0x0  }
0x13e: {  	[sflag:s8] =	ssyncadd.s32 $0xFFFFFE00  }
0x13f: {  	_ =	sfence.sel $0x180000  }
0x140: {  	[bflag:$0x0] =	sbarrier.arrive $0xFFFF  }
0x141: {  	p0 =	sne.s32 s4, $0x0;
	_ =	strace $0x90000047  }
0x142: {  	s0 =	sadd.s32 @!p0 $0x100000, s0;
	[bflag:$0x2] =	sbarrier.arrive $0xFFFF  }
0x143: {  	[sflag:s0] =	ssyncadd.tile.s32 @!p0 $0x1;
	_ =	shalt  }
.Lfunc_end2:
_tile_overlayer_lowered:
.L_overlay_start_2:
0x144: {  	(tag) =	ssettag $0x2  }
0x145: {  	s0 =	rddreg [dreg:$0x0];
	s2 =	stileid.u32  }
0x146: {  	s1 =	rddreg [dreg:$0x1];
	p0 =	sne.s32 s2, $0x0  }
0x147: {  	s3 =	rddreg [dreg:$0x2];
	[bflag:$0x3] =	sbarrier.arrive $0xFFFF;
	s2 =	simm.s32 @!p0 $0x1C03  }
0x148: {  	[timem:s3], [sflag:s2] =	dma.local @!p0 [hbm:s0], s1  }
0x149: {  	s0 =	simm.s32 @!p0 $0x3  }
0x14a: {  	_ =	swait.ge @!p0 [sflag:s0], s1  }
0x14b: {  	s1 =	ssub.s32 @!p0 $0x0, s1;
	[sflag:s0] =	ssyncset.done @!p0 $0x0  }
0x14c: {  	[sflag:s0] =	ssyncadd.s32 @!p0 s1  }
0x14d: {  	[bflag:$0x3] =	sbarrier.arrive $0xFFFF  }
0x14e: {  	_ =	shalt  }

</sc_bundles>
